<compile_context>
chip_gen: v7x
topology: tpu7x:2x2x1
jax: 0.10.2.dev20260603
libtpu: 0.0.44.dev20260713+nightly
codegen_flags: <defaults>
</compile_context>

<pallas_src>
import functools

import jax
import jax.numpy as jnp
from jax import lax
from jax.experimental import pallas as pl
from jax.experimental.pallas import tpu as pltpu
from jax.experimental.pallas import tpu_sc as plsc

N = 10000
D = 128
H3 = 384
H = 256
NC, NS, L = 2, 16, 16
NW = NC * NS
CHUNK = 128
CPT = 80
TE = CHUNK * CPT
E_PAD = NW * TE
N_ACC = 10240
STRIPE = N_ACC // NS
PAD_ROW = N

def _fill(buf, value):
    val = jnp.full((L,), value, jnp.float32)

    @pl.loop(0, CHUNK)
    def _(r):
        @pl.loop(0, D // L)
        def _(j):
            buf[r, pl.ds(j * L, L)] = val


DW = 128
DEG_OUT = 128


def _fill_w(buf, value, width):
    val = jnp.full((L,), value, jnp.float32)

    @pl.loop(0, CHUNK)
    def _(r):
        @pl.loop(0, width // L)
        def _(j):
            buf[r, pl.ds(j * L, L)] = val


def _deg_body(dst2_hbm, out_hbm, dstall, ones_v, acc):
    c = lax.axis_index("c")
    s = lax.axis_index("s")
    wid = c * NS + s

    pltpu.sync_copy(dst2_hbm.at[pl.ds(wid * CPT, CPT)], dstall)
    _fill_w(ones_v, 0.0, DW)

    @pl.loop(0, STRIPE // CHUNK)
    def _(z):
        pltpu.sync_copy(ones_v, acc.at[pl.ds(s * STRIPE + z * CHUNK, CHUNK)])

    _fill_w(ones_v, 1.0, DW)
    plsc.subcore_barrier()

    @pl.loop(0, CPT)
    def _(k):
        pltpu.sync_copy(ones_v, acc.at[dstall.at[k]], add=True)

    plsc.subcore_barrier()
    pltpu.sync_copy(acc.at[pl.ds(s * STRIPE, STRIPE), pl.ds(0, DEG_OUT)],
                    out_hbm.at[c].at[pl.ds(s * STRIPE, STRIPE)])


@functools.cache
def _deg_call():
    return pl.kernel(
        _deg_body,
        out_type=jax.ShapeDtypeStruct((NC, N_ACC, DEG_OUT), jnp.float32),
        mesh=plsc.VectorSubcoreMesh(core_axis_name="c", subcore_axis_name="s"),
        scratch_types=[
            pltpu.VMEM((CPT, CHUNK), jnp.int32),
            pltpu.VMEM((CHUNK, DW), jnp.float32),
            pltpu.VMEM_SHARED((N_ACC, DW), jnp.float32),
        ],
    )


def _prop_body(src2_hbm, dst1_hbm, y_hbm, out_hbm,
               srcall, dstv0, dstv1, rows0, rows1, acc,
               semg0, semg1, semd0, semd1):
    c = lax.axis_index("c")
    s = lax.axis_index("s")
    wid = c * NS + s
    base = wid * TE

    pltpu.sync_copy(src2_hbm.at[pl.ds(wid * CPT, CPT)], srcall)
    _fill(rows0, 0.0)

    @pl.loop(0, STRIPE // CHUNK)
    def _(z):
        pltpu.sync_copy(rows0, acc.at[pl.ds(s * STRIPE + z * CHUNK, CHUNK)])

    plsc.subcore_barrier()

    pltpu.async_copy(dst1_hbm.at[pl.ds(base, CHUNK)], dstv0, semd0)
    pltpu.async_copy(y_hbm.at[srcall.at[0]], rows0, semg0)
    pltpu.async_copy(dst1_hbm.at[pl.ds(base + CHUNK, CHUNK)], dstv1, semd1)

    @pl.loop(0, CPT, step=2)
    def _(k):
        pltpu.async_copy(y_hbm.at[srcall.at[k + 1]], rows1, semg1)

        pltpu.make_async_copy(dst1_hbm.at[pl.ds(base, CHUNK)], dstv0,
                              semd0).wait()
        pltpu.make_async_copy(y_hbm.at[srcall.at[k]], rows0, semg0).wait()
        pltpu.sync_copy(rows0, acc.at[dstv0], add=True)

        @pl.when(k + 2 < CPT)
        def _():
            pltpu.async_copy(dst1_hbm.at[pl.ds(base + (k + 2) * CHUNK, CHUNK)],
                             dstv0, semd0)
            pltpu.async_copy(y_hbm.at[srcall.at[k + 2]], rows0, semg0)

        pltpu.make_async_copy(dst1_hbm.at[pl.ds(base, CHUNK)], dstv1,
                              semd1).wait()
        pltpu.make_async_copy(y_hbm.at[srcall.at[k + 1]], rows1, semg1).wait()
        pltpu.sync_copy(rows1, acc.at[dstv1], add=True)

        @pl.when(k + 3 < CPT)
        def _():
            pltpu.async_copy(dst1_hbm.at[pl.ds(base + (k + 3) * CHUNK, CHUNK)],
                             dstv1, semd1)

    plsc.subcore_barrier()
    pltpu.sync_copy(acc.at[pl.ds(s * STRIPE, STRIPE)],
                    out_hbm.at[c].at[pl.ds(s * STRIPE, STRIPE)])


@functools.cache
def _prop_call():
    return pl.kernel(
        _prop_body,
        out_type=jax.ShapeDtypeStruct((NC, N_ACC, D), jnp.float32),
        mesh=plsc.VectorSubcoreMesh(core_axis_name="c", subcore_axis_name="s"),
        scratch_types=[
            pltpu.VMEM((CPT, CHUNK), jnp.int32),
            pltpu.VMEM((CHUNK,), jnp.int32),
            pltpu.VMEM((CHUNK,), jnp.int32),
            pltpu.VMEM((CHUNK, D), jnp.float32),
            pltpu.VMEM((CHUNK, D), jnp.float32),
            pltpu.VMEM_SHARED((N_ACC, D), jnp.float32),
            pltpu.SemaphoreType.DMA,
            pltpu.SemaphoreType.DMA,
            pltpu.SemaphoreType.DMA,
            pltpu.SemaphoreType.DMA,
        ],
    )


_BM = 1000
_NB = N // _BM
_NF = float(N)


def _prep_body(dp0, dp1, x_ref, y1_ref, dinv_ref):
    deg = dp0[0][:, 0:1] + dp1[0][:, 0:1]
    dinv = jnp.where(deg > 0.0, lax.rsqrt(jnp.where(deg > 0.0, deg, 1.0)), 0.0)
    dinv_ref[...] = dinv
    y1_ref[...] = x_ref[...] * dinv


def _mid_body(zp0, zp1, dinv_ref, h1_ref, y2_ref):
    dinv = dinv_ref[...]
    h1 = (zp0[0] + zp1[0]) * dinv
    h1_ref[...] = h1
    y2_ref[...] = h1 * dinv


def _dense_body(zp0, zp1, dinv_ref, x_ref, h1_ref,
                w0, b0, w1, b1, w2, b2, g1, bb1, l1w, l1b, l2w, l2b,
                g2, bb2, o_ref, out_scr, h_scr, st1, st2):
    p = pl.program_id(0)
    i = pl.program_id(1)
    dot = functools.partial(jnp.dot, preferred_element_type=jnp.float32,
                            precision=lax.Precision.DEFAULT)
    rows = pl.ds(i * _BM, _BM)

    @pl.when(p == 0)
    def _():
        @pl.when(i == 0)
        def _():
            st1[...] = jnp.zeros_like(st1)

        h2 = (zp0[0] + zp1[0]) * dinv_ref[...]
        o = jnp.concatenate([
            dot(x_ref[...], w0[...]) + b0[...],
            dot(h1_ref[...], w1[...]) + b1[...],
            dot(h2, w2[...]) + b2[...],
        ], axis=1)
        out_scr[rows, :] = o
        st1[0:1, :] += jnp.sum(o, axis=0, keepdims=True)
        st1[1:2, :] += jnp.sum(o * o, axis=0, keepdims=True)

    @pl.when(p == 1)
    def _():
        @pl.when(i == 0)
        def _():
            st2[...] = jnp.zeros_like(st2)

        mu = st1[0:1, :] / _NF
        var = st1[1:2, :] / _NF - mu * mu
        inv = lax.rsqrt(var + 1e-5)
        hb = (out_scr[rows, :] - mu) * inv * g1[...] + bb1[...]
        t = jnp.maximum(dot(hb, l1w[...]) + l1b[...], 0.0)
        y = dot(t, l2w[...]) + l2b[...]
        h = hb[:, :D] + y
        h_scr[rows, :] = h
        st2[0:1, :] += jnp.sum(h, axis=0, keepdims=True)
        st2[1:2, :] += jnp.sum(h * h, axis=0, keepdims=True)

    @pl.when(p == 2)
    def _():
        mu = st2[0:1, :] / _NF
        var = st2[1:2, :] / _NF - mu * mu
        inv = lax.rsqrt(var + 1e-5)
        o_ref[...] = (h_scr[rows, :] - mu) * inv * g2[...] + bb2[...]


def _row_spec(bn, bd):
    return pl.BlockSpec((bn, bd), lambda i: (i, 0))


def _part_spec(part, bn, bd):
    return pl.BlockSpec((1, bn, bd), lambda i, q=part: (q, i, 0))


def _full_spec(shape):
    return pl.BlockSpec(shape, lambda i: tuple(0 for _ in shape))


def _drow_spec(bn, bd):
    return pl.BlockSpec((bn, bd), lambda p, i: (jnp.where(p == 0, i, 0), 0))


def _dpart_spec(part, bn, bd):
    return pl.BlockSpec((1, bn, bd),
                        lambda p, i, q=part: (q, jnp.where(p == 0, i, 0), 0))


def _dfull_spec(shape):
    return pl.BlockSpec(shape, lambda p, i: tuple(0 for _ in shape))


def _dout_spec(bn, bd):
    return pl.BlockSpec((bn, bd), lambda p, i: (jnp.where(p == 2, i, 0), 0))


@jax.jit
def kernel(x, edge_index, W0, b0, W1, b1, W2, b2, bn1_g, bn1_b,
           l1_W, l1_b, l2_W, l2_b, bn2_g, bn2_b):
    E = edge_index.shape[1]
    pad_src = jnp.arange(E_PAD - E, dtype=jnp.int32) % N
    pad_dst = jnp.full((E_PAD - E,), PAD_ROW, jnp.int32)
    src = jnp.concatenate([edge_index[0].astype(jnp.int32), pad_src])
    dst1 = jnp.concatenate([edge_index[1].astype(jnp.int32), pad_dst])
    src2 = src.reshape(E_PAD // CHUNK, CHUNK)
    dst2 = dst1.reshape(E_PAD // CHUNK, CHUNK)


    b0r = b0.reshape(1, D)
    b1r = b1.reshape(1, D)
    b2r = b2.reshape(1, D)
    g1r = bn1_g.reshape(1, H3)
    bb1r = bn1_b.reshape(1, H3)
    l1br = l1_b.reshape(1, H)
    l2br = l2_b.reshape(1, D)
    g2r = bn2_g.reshape(1, D)
    bb2r = bn2_b.reshape(1, D)

    degp = _deg_call()(dst2)

    y1, dinv = pl.pallas_call(
        _prep_body,
        grid=(_NB,),
        in_specs=[_part_spec(0, _BM, DEG_OUT), _part_spec(1, _BM, DEG_OUT),
                  _row_spec(_BM, D)],
        out_specs=[_row_spec(_BM, D), _row_spec(_BM, 1)],
        out_shape=[jax.ShapeDtypeStruct((N_ACC, D), jnp.float32),
                   jax.ShapeDtypeStruct((N, 1), jnp.float32)],
    )(degp, degp, x)

    z1p = _prop_call()(src2, dst1, y1)

    h1, y2 = pl.pallas_call(
        _mid_body,
        grid=(_NB,),
        in_specs=[_part_spec(0, _BM, D), _part_spec(1, _BM, D),
                  _row_spec(_BM, 1)],
        out_specs=[_row_spec(_BM, D), _row_spec(_BM, D)],
        out_shape=[jax.ShapeDtypeStruct((N, D), jnp.float32),
                   jax.ShapeDtypeStruct((N_ACC, D), jnp.float32)],
    )(z1p, z1p, dinv)

    z2p = _prop_call()(src2, dst1, y2)

    final = pl.pallas_call(
        _dense_body,
        grid=(3, _NB),
        in_specs=[_dpart_spec(0, _BM, D), _dpart_spec(1, _BM, D),
                  _drow_spec(_BM, 1), _drow_spec(_BM, D), _drow_spec(_BM, D),
                  _dfull_spec((D, D)), _dfull_spec((1, D)),
                  _dfull_spec((D, D)), _dfull_spec((1, D)),
                  _dfull_spec((D, D)), _dfull_spec((1, D)),
                  _dfull_spec((1, H3)), _dfull_spec((1, H3)),
                  _dfull_spec((H3, H)), _dfull_spec((1, H)),
                  _dfull_spec((H, D)), _dfull_spec((1, D)),
                  _dfull_spec((1, D)), _dfull_spec((1, D))],
        out_specs=_dout_spec(_BM, D),
        out_shape=jax.ShapeDtypeStruct((N, D), jnp.float32),
        scratch_shapes=[pltpu.VMEM((N, H3), jnp.float32),
                        pltpu.VMEM((N, D), jnp.float32),
                        pltpu.VMEM((8, H3), jnp.float32),
                        pltpu.VMEM((8, D), jnp.float32)],
    )(z2p, z2p, dinv, x, h1, W0, b0r, W1, b1r, W2, b2r,
      g1r, bb1r, l1_W, l1br, l2_W, l2br, g2r, bb2r)

    return final

# --- scband reference (transcript-rebuilt; emitter-appended) ---
"""Pipeline reference for scband-attention-layer-31610959299130 (READ-ONLY COPY).

The authoritative reference and input builder live on the scoring server;
editing this copy changes nothing except your own understanding.
"""

import jax, jax.numpy as jnp
import numpy as np

N, E, D, H = 10000, 320000, 128, 256

def setup_inputs(seed: int = 0) -> dict:
    key = jax.random.key(seed)
    ks = jax.random.split(key, 12)
    x = jax.random.normal(ks[0], (N, D), dtype=jnp.float32)
    edge_index = jax.random.randint(ks[1], (2, E), 0, N)
    s = 1.0 / np.sqrt(D)
    W0 = jax.random.normal(ks[2], (D, D), dtype=jnp.float32) * s
    b0 = jnp.zeros((D,), dtype=jnp.float32)
    W1 = jax.random.normal(ks[3], (D, D), dtype=jnp.float32) * s
    b1 = jnp.zeros((D,), dtype=jnp.float32)
    W2 = jax.random.normal(ks[4], (D, D), dtype=jnp.float32) * s
    b2 = jnp.zeros((D,), dtype=jnp.float32)
    bn1_g = jnp.ones((3 * D,), dtype=jnp.float32)
    bn1_b = jnp.zeros((3 * D,), dtype=jnp.float32)
    l1_W = jax.random.normal(ks[5], (3 * D, H), dtype=jnp.float32) * (1.0 / np.sqrt(3 * D))
    l1_b = jnp.zeros((H,), dtype=jnp.float32)
    l2_W = jax.random.normal(ks[6], (H, D), dtype=jnp.float32) * (1.0 / np.sqrt(H))
    l2_b = jnp.zeros((D,), dtype=jnp.float32)
    bn2_g = jnp.ones((D,), dtype=jnp.float32)
    bn2_b = jnp.zeros((D,), dtype=jnp.float32)
    return {"x": x, "edge_index": edge_index, "W0": W0, "b0": b0, "W1": W1, "b1": b1,
            "W2": W2, "b2": b2, "bn1_g": bn1_g, "bn1_b": bn1_b, "l1_W": l1_W, "l1_b": l1_b,
            "l2_W": l2_W, "l2_b": l2_b, "bn2_g": bn2_g, "bn2_b": bn2_b}


def _bn(h, g, b):
    mu = jnp.mean(h, axis=0)
    var = jnp.var(h, axis=0)
    return (h - mu) / jnp.sqrt(var + 1e-5) * g + b


def reference(x, edge_index, W0, b0, W1, b1, W2, b2, bn1_g, bn1_b, l1_W, l1_b, l2_W, l2_b, bn2_g, bn2_b):
    src = edge_index[0]
    dst = edge_index[1]
    n = x.shape[0]
    # GCN-style symmetric normalization (add_self_loops=False)
    deg = jnp.zeros((n,), dtype=x.dtype).at[dst].add(1.0)
    dinv = jnp.where(deg > 0, 1.0 / jnp.sqrt(jnp.where(deg > 0, deg, 1.0)), 0.0)
    norm = dinv[src] * dinv[dst]

    def prop(h):
        return jnp.zeros_like(h).at[dst].add(norm[:, None] * h[src])

    # MixHopConv powers [0, 1, 2]
    h0 = x
    h1 = prop(h0)
    h2 = prop(h1)
    out = jnp.concatenate([h0 @ W0 + b0, h1 @ W1 + b1, h2 @ W2 + b2], axis=-1)  # [N, 3D]

    # feed_forward: BN(3D) -> SkipConnection(MLP 3D->H->D) -> BN(D)
    h = _bn(out, bn1_g, bn1_b)
    y = jnp.maximum(h @ l1_W + l1_b, 0.0) @ l2_W + l2_b  # [N, D]
    h = h[:, : y.shape[-1]] + y  # residual (hop-0 block), resolves original shape mismatch
    h = _bn(h, bn2_g, bn2_b)
    return h

if __name__ == "__main__":
    import jax
    _d = setup_inputs()
    print(jax.jit(kernel)(*tuple(_d.values())))

</pallas_src>

<mosaic_0001>
#map = affine_map<(d0, d1) -> (0, 0)>
#map1 = affine_map<(d0, d1) -> (0)>
#map2 = affine_map<(d0, d1) -> (0, 0, 0)>
module attributes {stable_mosaic.version = 14 : i64} {
  func.func @_prop_body(%arg0: i32, %arg1: i32, %arg2: memref<2560x128xi32, #tpu.memory_space<hbm>>, %arg3: memref<327680xi32, #tpu.memory_space<hbm>>, %arg4: memref<10240x128xf32, #tpu.memory_space<hbm>>, %arg5: memref<2x10240x128xf32, #tpu.memory_space<hbm>>, %arg6: memref<80x128xi32, #tpu.memory_space<vmem>>, %arg7: memref<128xi32, #tpu.memory_space<vmem>>, %arg8: memref<128xi32, #tpu.memory_space<vmem>>, %arg9: memref<128x128xf32, #tpu.memory_space<vmem>>, %arg10: memref<128x128xf32, #tpu.memory_space<vmem>>, %arg11: memref<10240x128xf32, #tpu.memory_space<vmem_shared>>, %arg12: memref<!tpu.dma_semaphore, #tpu.memory_space<semaphore_mem>>, %arg13: memref<!tpu.dma_semaphore, #tpu.memory_space<semaphore_mem>>, %arg14: memref<!tpu.dma_semaphore, #tpu.memory_space<semaphore_mem>>, %arg15: memref<!tpu.dma_semaphore, #tpu.memory_space<semaphore_mem>>) attributes {dimension_semantics = [#tpu.dimension_semantics<core_parallel>, #tpu.dimension_semantics<subcore_parallel>], iteration_bounds = array<i64: 2, 16>, scalar_prefetch = 0 : i64, scratch_operands = 10 : i64, tpu.core_type = #tpu.core_type<sc_vector_subcore>, window_params = [{transform_indices = #map}, {transform_indices = #map1}, {transform_indices = #map}, {transform_indices = #map2}]} {
    %mul3A = arith.constant 16 : i32
    %mul3A_0 = arith.muli %arg0, %mul3A : i32
    %add3A = arith.addi %mul3A_0, %arg1 : i32
    %mul3A_1 = arith.constant 10240 : i32
    %mul3A_2 = arith.muli %add3A, %mul3A_1 : i32
    %mul3A_3 = arith.constant 80 : i32
    %mul3A_4 = arith.muli %add3A, %mul3A_3 : i32
    "tpu.region"() ({
      %run_scoped3A = tpu.sem_alloc : memref<!tpu.dma_semaphore, #tpu.memory_space<semaphore_mem>>
      %dma_start3A_37 = arith.constant 0 : i32
      %dma_start3A_38 = tpu.memref_slice %arg2[%mul3A_4, %dma_start3A_37] : memref<2560x128xi32, #tpu.memory_space<hbm>> -> memref<80x128xi32, #tpu.memory_space<hbm>>
      %dma_start3A_39 = arith.constant 0 : i32
      %dma_start3A_40 = tpu.memref_slice %arg2[%mul3A_4, %dma_start3A_39] : memref<2560x128xi32, #tpu.memory_space<hbm>> -> memref<80x128xi32, #tpu.memory_space<hbm>>
      tpu.enqueue_dma source(%dma_start3A_40 : memref<80x128xi32, #tpu.memory_space<hbm>>) target(%arg6 : memref<80x128xi32, #tpu.memory_space<vmem>>) target_semaphore(%run_scoped3A : memref<!tpu.dma_semaphore, #tpu.memory_space<semaphore_mem>>)
      %dma_wait3A = arith.constant 0 : i32
      %dma_wait3A_41 = tpu.memref_slice %arg2[%mul3A_4, %dma_wait3A] : memref<2560x128xi32, #tpu.memory_space<hbm>> -> memref<80x128xi32, #tpu.memory_space<hbm>>
      %dma_wait3A_42 = arith.constant 0 : i32
      %dma_wait3A_43 = tpu.memref_slice %arg2[%mul3A_4, %dma_wait3A_42] : memref<2560x128xi32, #tpu.memory_space<hbm>> -> memref<80x128xi32, #tpu.memory_space<hbm>>
      tpu.wait_dma2 semaphore(%run_scoped3A : memref<!tpu.dma_semaphore, #tpu.memory_space<semaphore_mem>>) src(%dma_wait3A_43 : memref<80x128xi32, #tpu.memory_space<hbm>>) dst(%arg6 : memref<80x128xi32, #tpu.memory_space<vmem>>)
      tpu.yield
    }) : () -> ()
    %broadcast_in_dim3A = arith.constant 0.000000e+00 : f32
    %broadcast_in_dim3A_5 = vector.broadcast %broadcast_in_dim3A : f32 to vector<16xf32>
    %scan3A = arith.constant 0 : i32
    %scan3A_6 = arith.constant 128 : i32
    %scan3A_7 = arith.addi %scan3A, %scan3A_6 : i32
    %scan3A_8 = arith.constant 1 : i32
    scf.for %scan3A_37 = %scan3A to %scan3A_7 step %scan3A_8  : i32 {
      %mul3A_38 = arith.constant 1 : i32
      %mul3A_39 = arith.muli %scan3A_37, %mul3A_38 : i32
      %add3A_40 = arith.constant 0 : i32
      %add3A_41 = arith.addi %add3A_40, %mul3A_39 : i32
      %scan3A_42 = arith.constant 0 : i32
      %scan3A_43 = arith.constant 8 : i32
      %scan3A_44 = arith.addi %scan3A_42, %scan3A_43 : i32
      %scan3A_45 = arith.constant 1 : i32
      scf.for %scan3A_47 = %scan3A_42 to %scan3A_44 step %scan3A_45  : i32 {
        %mul3A_48 = arith.constant 1 : i32
        %mul3A_49 = arith.muli %scan3A_47, %mul3A_48 : i32
        %add3A_50 = arith.constant 0 : i32
        %add3A_51 = arith.addi %add3A_50, %mul3A_49 : i32
        %mul3A_52 = arith.constant 16 : i32
        %mul3A_53 = arith.muli %add3A_51, %mul3A_52 : i32
        %swap3A = arith.index_cast %add3A_41 : i32 to index
        %swap3A_54 = arith.index_cast %mul3A_53 : i32 to index
        %swap3A_55 = tpu.vector_load %arg9[%swap3A, %swap3A_54] {strides = array<i32>} : memref<128x128xf32, #tpu.memory_space<vmem>>, vector<1x16xf32>,
        %swap3A_56 = vector.shape_cast %swap3A_55 : vector<1x16xf32> to vector<16xf32>
        %swap3A_57 = vector.shape_cast %broadcast_in_dim3A_5 : vector<16xf32> to vector<1x16xf32>
        tpu.vector_store %arg9[%swap3A, %swap3A_54], %swap3A_57 {strides = array<i32>} : memref<128x128xf32, #tpu.memory_space<vmem>>, vector<1x16xf32>,
      }
      %scan3A_46 = arith.constant 8 : i32
    }
    %scan3A_9 = arith.constant 128 : i32
    %scan3A_10 = arith.constant 0 : i32
    %scan3A_11 = arith.constant 5 : i32
    %scan3A_12 = arith.addi %scan3A_10, %scan3A_11 : i32
    %scan3A_13 = arith.constant 1 : i32
    scf.for %scan3A_37 = %scan3A_10 to %scan3A_12 step %scan3A_13  : i32 {
      %mul3A_38 = arith.constant 1 : i32
      %mul3A_39 = arith.muli %scan3A_37, %mul3A_38 : i32
      %add3A_40 = arith.constant 0 : i32
      %add3A_41 = arith.addi %add3A_40, %mul3A_39 : i32
      %mul3A_42 = arith.constant 640 : i32
      %mul3A_43 = arith.muli %arg1, %mul3A_42 : i32
      %mul3A_44 = arith.constant 128 : i32
      %mul3A_45 = arith.muli %add3A_41, %mul3A_44 : i32
      %add3A_46 = arith.addi %mul3A_43, %mul3A_45 : i32
      "tpu.region"() ({
        %run_scoped3A = tpu.sem_alloc : memref<!tpu.dma_semaphore, #tpu.memory_space<semaphore_mem>>
        %dma_start3A_47 = arith.constant 0 : i32
        %dma_start3A_48 = tpu.memref_slice %arg11[%add3A_46, %dma_start3A_47] : memref<10240x128xf32, #tpu.memory_space<vmem_shared>> -> memref<128x128xf32, #tpu.memory_space<vmem_shared>>
        %dma_start3A_49 = arith.constant 0 : i32
        %dma_start3A_50 = tpu.memref_slice %arg11[%add3A_46, %dma_start3A_49] : memref<10240x128xf32, #tpu.memory_space<vmem_shared>> -> memref<128x128xf32, #tpu.memory_space<vmem_shared>>
        tpu.enqueue_dma source(%arg9 : memref<128x128xf32, #tpu.memory_space<vmem>>) target(%dma_start3A_50 : memref<128x128xf32, #tpu.memory_space<vmem_shared>>) target_semaphore(%run_scoped3A : memref<!tpu.dma_semaphore, #tpu.memory_space<semaphore_mem>>)
        %dma_wait3A = arith.constant 0 : i32
        %dma_wait3A_51 = tpu.memref_slice %arg11[%add3A_46, %dma_wait3A] : memref<10240x128xf32, #tpu.memory_space<vmem_shared>> -> memref<128x128xf32, #tpu.memory_space<vmem_shared>>
        %dma_wait3A_52 = arith.constant 0 : i32
        %dma_wait3A_53 = tpu.memref_slice %arg11[%add3A_46, %dma_wait3A_52] : memref<10240x128xf32, #tpu.memory_space<vmem_shared>> -> memref<128x128xf32, #tpu.memory_space<vmem_shared>>
        tpu.wait_dma2 semaphore(%run_scoped3A : memref<!tpu.dma_semaphore, #tpu.memory_space<semaphore_mem>>) src(%arg9 : memref<128x128xf32, #tpu.memory_space<vmem>>) dst(%dma_wait3A_53 : memref<128x128xf32, #tpu.memory_space<vmem_shared>>)
        tpu.yield
      }) : () -> ()
    }
    %scan3A_14 = arith.constant 5 : i32
    %barrier3A = arith.constant 0 : index
    tpu.barrier barrier_id(%barrier3A)
    %dma_start3A = tpu.memref_slice %arg3[%mul3A_2] : memref<327680xi32, #tpu.memory_space<hbm>> -> memref<128xi32, #tpu.memory_space<hbm>>
    %dma_start3A_15 = tpu.memref_slice %arg3[%mul3A_2] : memref<327680xi32, #tpu.memory_space<hbm>> -> memref<128xi32, #tpu.memory_space<hbm>>
    tpu.enqueue_dma source(%dma_start3A_15 : memref<128xi32, #tpu.memory_space<hbm>>) target(%arg7 : memref<128xi32, #tpu.memory_space<vmem>>) target_semaphore(%arg14 : memref<!tpu.dma_semaphore, #tpu.memory_space<semaphore_mem>>)
    %dma_start3A_16 = arith.constant 0 : i32
    %dma_start3A_17 = arith.constant 0 : i32
    %dma_start3A_18 = tpu.memref_slice %arg6[%dma_start3A_16, %dma_start3A_17] : memref<80x128xi32, #tpu.memory_space<vmem>> -> memref<1x128xi32, #tpu.memory_space<vmem>>
    %dma_start3A_19 = tpu.memref_squeeze %dma_start3A_18 : memref<1x128xi32, #tpu.memory_space<vmem>> -> memref<128xi32, #tpu.memory_space<vmem>>
    %dma_start3A_20 = arith.constant 0 : i32
    %dma_start3A_21 = arith.constant 0 : i32
    %dma_start3A_22 = tpu.memref_slice %arg4[%dma_start3A_20, %dma_start3A_21] : memref<10240x128xf32, #tpu.memory_space<hbm>> -> memref<10240x128xf32, #tpu.memory_space<hbm>>
    tpu.enqueue_indirect_dma source(%dma_start3A_22 : memref<10240x128xf32, #tpu.memory_space<hbm>>) target(%arg9 : memref<128x128xf32, #tpu.memory_space<vmem>>) offsets(%dma_start3A_19 : memref<128xi32, #tpu.memory_space<vmem>>) semaphore(%arg12 : memref<!tpu.dma_semaphore, #tpu.memory_space<semaphore_mem>>)
    %add3A_23 = arith.constant 128 : i32
    %add3A_24 = arith.addi %mul3A_2, %add3A_23 : i32
    %dma_start3A_25 = tpu.memref_slice %arg3[%add3A_24] : memref<327680xi32, #tpu.memory_space<hbm>> -> memref<128xi32, #tpu.memory_space<hbm>>
    %dma_start3A_26 = tpu.memref_slice %arg3[%add3A_24] : memref<327680xi32, #tpu.memory_space<hbm>> -> memref<128xi32, #tpu.memory_space<hbm>>
    tpu.enqueue_dma source(%dma_start3A_26 : memref<128xi32, #tpu.memory_space<hbm>>) target(%arg8 : memref<128xi32, #tpu.memory_space<vmem>>) target_semaphore(%arg15 : memref<!tpu.dma_semaphore, #tpu.memory_space<semaphore_mem>>)
    %scan3A_27 = arith.constant 0 : i32
    %scan3A_28 = arith.constant 40 : i32
    %scan3A_29 = arith.addi %scan3A_27, %scan3A_28 : i32
    %scan3A_30 = arith.constant 1 : i32
    scf.for %scan3A_37 = %scan3A_27 to %scan3A_29 step %scan3A_30  : i32 {
      %mul3A_38 = arith.constant 2 : i32
      %mul3A_39 = arith.muli %scan3A_37, %mul3A_38 : i32
      %add3A_40 = arith.constant 0 : i32
      %add3A_41 = arith.addi %add3A_40, %mul3A_39 : i32
      %add3A_42 = arith.constant 1 : i32
      %add3A_43 = arith.addi %add3A_41, %add3A_42 : i32
      %dma_start3A_44 = arith.constant 0 : i32
      %dma_start3A_45 = tpu.memref_slice %arg6[%add3A_43, %dma_start3A_44] : memref<80x128xi32, #tpu.memory_space<vmem>> -> memref<1x128xi32, #tpu.memory_space<vmem>>
      %dma_start3A_46 = tpu.memref_squeeze %dma_start3A_45 : memref<1x128xi32, #tpu.memory_space<vmem>> -> memref<128xi32, #tpu.memory_space<vmem>>
      %dma_start3A_47 = arith.constant 0 : i32
      %dma_start3A_48 = arith.constant 0 : i32
      %dma_start3A_49 = tpu.memref_slice %arg4[%dma_start3A_47, %dma_start3A_48] : memref<10240x128xf32, #tpu.memory_space<hbm>> -> memref<10240x128xf32, #tpu.memory_space<hbm>>
      tpu.enqueue_indirect_dma source(%dma_start3A_49 : memref<10240x128xf32, #tpu.memory_space<hbm>>) target(%arg10 : memref<128x128xf32, #tpu.memory_space<vmem>>) offsets(%dma_start3A_46 : memref<128xi32, #tpu.memory_space<vmem>>) semaphore(%arg13 : memref<!tpu.dma_semaphore, #tpu.memory_space<semaphore_mem>>)
      %dma_wait3A = tpu.memref_slice %arg3[%mul3A_2] : memref<327680xi32, #tpu.memory_space<hbm>> -> memref<128xi32, #tpu.memory_space<hbm>>
      %dma_wait3A_50 = tpu.memref_slice %arg3[%mul3A_2] : memref<327680xi32, #tpu.memory_space<hbm>> -> memref<128xi32, #tpu.memory_space<hbm>>
      tpu.wait_dma2 semaphore(%arg14 : memref<!tpu.dma_semaphore, #tpu.memory_space<semaphore_mem>>) src(%dma_wait3A_50 : memref<128xi32, #tpu.memory_space<hbm>>) dst(%arg7 : memref<128xi32, #tpu.memory_space<vmem>>)
      %dma_wait3A_51 = arith.constant 0 : i32
      %dma_wait3A_52 = tpu.memref_slice %arg6[%add3A_41, %dma_wait3A_51] : memref<80x128xi32, #tpu.memory_space<vmem>> -> memref<1x128xi32, #tpu.memory_space<vmem>>
      %dma_wait3A_53 = tpu.memref_squeeze %dma_wait3A_52 : memref<1x128xi32, #tpu.memory_space<vmem>> -> memref<128xi32, #tpu.memory_space<vmem>>
      %dma_wait3A_54 = arith.constant 0 : i32
      %dma_wait3A_55 = arith.constant 0 : i32
      %dma_wait3A_56 = tpu.memref_slice %arg4[%dma_wait3A_54, %dma_wait3A_55] : memref<10240x128xf32, #tpu.memory_space<hbm>> -> memref<10240x128xf32, #tpu.memory_space<hbm>>
      tpu.wait_indirect_dma semaphore(%arg12 : memref<!tpu.dma_semaphore, #tpu.memory_space<semaphore_mem>>) src(%dma_wait3A_56 : memref<10240x128xf32, #tpu.memory_space<hbm>>) dst(%arg9 : memref<128x128xf32, #tpu.memory_space<vmem>>)
      "tpu.region"() ({
        %run_scoped3A = tpu.sem_alloc : memref<!tpu.dma_semaphore, #tpu.memory_space<semaphore_mem>>
        %dma_start3A_78 = arith.constant 0 : i32
        %dma_start3A_79 = arith.constant 0 : i32
        %dma_start3A_80 = tpu.memref_slice %arg11[%dma_start3A_78, %dma_start3A_79] : memref<10240x128xf32, #tpu.memory_space<vmem_shared>> -> memref<10240x128xf32, #tpu.memory_space<vmem_shared>>
        tpu.enqueue_indirect_dma source(%arg9 : memref<128x128xf32, #tpu.memory_space<vmem>>) target(%dma_start3A_80 : memref<10240x128xf32, #tpu.memory_space<vmem_shared>>) offsets(%arg7 : memref<128xi32, #tpu.memory_space<vmem>>) semaphore(%run_scoped3A : memref<!tpu.dma_semaphore, #tpu.memory_space<semaphore_mem>>) {add = true}
        %dma_wait3A_81 = arith.constant 0 : i32
        %dma_wait3A_82 = arith.constant 0 : i32
        %dma_wait3A_83 = tpu.memref_slice %arg11[%dma_wait3A_81, %dma_wait3A_82] : memref<10240x128xf32, #tpu.memory_space<vmem_shared>> -> memref<10240x128xf32, #tpu.memory_space<vmem_shared>>
        tpu.wait_indirect_dma semaphore(%run_scoped3A : memref<!tpu.dma_semaphore, #tpu.memory_space<semaphore_mem>>) src(%arg9 : memref<128x128xf32, #tpu.memory_space<vmem>>) dst(%dma_wait3A_83 : memref<10240x128xf32, #tpu.memory_space<vmem_shared>>)
        tpu.yield
      }) : () -> ()
      %add3A_57 = arith.constant 2 : i32
      %add3A_58 = arith.addi %add3A_41, %add3A_57 : i32
      %lt3A = arith.constant 80 : i32
      %lt3A_59 = arith.cmpi slt, %add3A_58, %lt3A : i32
      %convert_element_type3A = arith.extui %lt3A_59 : i1 to i32
      %cond3A = arith.constant 0 : i32
      %cond3A_60 = arith.cmpi ne, %convert_element_type3A, %cond3A : i32
      scf.if %cond3A_60 {
        %add3A_78 = arith.constant 2 : i32
        %add3A_79 = arith.addi %add3A_41, %add3A_78 : i32
        %mul3A_80 = arith.constant 128 : i32
        %mul3A_81 = arith.muli %add3A_79, %mul3A_80 : i32
        %add3A_82 = arith.addi %mul3A_2, %mul3A_81 : i32
        %dma_start3A_83 = tpu.memref_slice %arg3[%add3A_82] : memref<327680xi32, #tpu.memory_space<hbm>> -> memref<128xi32, #tpu.memory_space<hbm>>
        %dma_start3A_84 = tpu.memref_slice %arg3[%add3A_82] : memref<327680xi32, #tpu.memory_space<hbm>> -> memref<128xi32, #tpu.memory_space<hbm>>
        tpu.enqueue_dma source(%dma_start3A_84 : memref<128xi32, #tpu.memory_space<hbm>>) target(%arg7 : memref<128xi32, #tpu.memory_space<vmem>>) target_semaphore(%arg14 : memref<!tpu.dma_semaphore, #tpu.memory_space<semaphore_mem>>)
        %add3A_85 = arith.constant 2 : i32
        %add3A_86 = arith.addi %add3A_41, %add3A_85 : i32
        %dma_start3A_87 = arith.constant 0 : i32
        %dma_start3A_88 = tpu.memref_slice %arg6[%add3A_86, %dma_start3A_87] : memref<80x128xi32, #tpu.memory_space<vmem>> -> memref<1x128xi32, #tpu.memory_space<vmem>>
        %dma_start3A_89 = tpu.memref_squeeze %dma_start3A_88 : memref<1x128xi32, #tpu.memory_space<vmem>> -> memref<128xi32, #tpu.memory_space<vmem>>
        %dma_start3A_90 = arith.constant 0 : i32
        %dma_start3A_91 = arith.constant 0 : i32
        %dma_start3A_92 = tpu.memref_slice %arg4[%dma_start3A_90, %dma_start3A_91] : memref<10240x128xf32, #tpu.memory_space<hbm>> -> memref<10240x128xf32, #tpu.memory_space<hbm>>
        tpu.enqueue_indirect_dma source(%dma_start3A_92 : memref<10240x128xf32, #tpu.memory_space<hbm>>) target(%arg9 : memref<128x128xf32, #tpu.memory_space<vmem>>) offsets(%dma_start3A_89 : memref<128xi32, #tpu.memory_space<vmem>>) semaphore(%arg12 : memref<!tpu.dma_semaphore, #tpu.memory_space<semaphore_mem>>)
      } else {
      }
      %dma_wait3A_61 = tpu.memref_slice %arg3[%mul3A_2] : memref<327680xi32, #tpu.memory_space<hbm>> -> memref<128xi32, #tpu.memory_space<hbm>>
      %dma_wait3A_62 = tpu.memref_slice %arg3[%mul3A_2] : memref<327680xi32, #tpu.memory_space<hbm>> -> memref<128xi32, #tpu.memory_space<hbm>>
      tpu.wait_dma2 semaphore(%arg15 : memref<!tpu.dma_semaphore, #tpu.memory_space<semaphore_mem>>) src(%dma_wait3A_62 : memref<128xi32, #tpu.memory_space<hbm>>) dst(%arg8 : memref<128xi32, #tpu.memory_space<vmem>>)
      %add3A_63 = arith.constant 1 : i32
      %add3A_64 = arith.addi %add3A_41, %add3A_63 : i32
      %dma_wait3A_65 = arith.constant 0 : i32
      %dma_wait3A_66 = tpu.memref_slice %arg6[%add3A_64, %dma_wait3A_65] : memref<80x128xi32, #tpu.memory_space<vmem>> -> memref<1x128xi32, #tpu.memory_space<vmem>>
      %dma_wait3A_67 = tpu.memref_squeeze %dma_wait3A_66 : memref<1x128xi32, #tpu.memory_space<vmem>> -> memref<128xi32, #tpu.memory_space<vmem>>
      %dma_wait3A_68 = arith.constant 0 : i32
      %dma_wait3A_69 = arith.constant 0 : i32
      %dma_wait3A_70 = tpu.memref_slice %arg4[%dma_wait3A_68, %dma_wait3A_69] : memref<10240x128xf32, #tpu.memory_space<hbm>> -> memref<10240x128xf32, #tpu.memory_space<hbm>>
      tpu.wait_indirect_dma semaphore(%arg13 : memref<!tpu.dma_semaphore, #tpu.memory_space<semaphore_mem>>) src(%dma_wait3A_70 : memref<10240x128xf32, #tpu.memory_space<hbm>>) dst(%arg10 : memref<128x128xf32, #tpu.memory_space<vmem>>)
      "tpu.region"() ({
        %run_scoped3A = tpu.sem_alloc : memref<!tpu.dma_semaphore, #tpu.memory_space<semaphore_mem>>
        %dma_start3A_78 = arith.constant 0 : i32
        %dma_start3A_79 = arith.constant 0 : i32
        %dma_start3A_80 = tpu.memref_slice %arg11[%dma_start3A_78, %dma_start3A_79] : memref<10240x128xf32, #tpu.memory_space<vmem_shared>> -> memref<10240x128xf32, #tpu.memory_space<vmem_shared>>
        tpu.enqueue_indirect_dma source(%arg10 : memref<128x128xf32, #tpu.memory_space<vmem>>) target(%dma_start3A_80 : memref<10240x128xf32, #tpu.memory_space<vmem_shared>>) offsets(%arg8 : memref<128xi32, #tpu.memory_space<vmem>>) semaphore(%run_scoped3A : memref<!tpu.dma_semaphore, #tpu.memory_space<semaphore_mem>>) {add = true}
        %dma_wait3A_81 = arith.constant 0 : i32
        %dma_wait3A_82 = arith.constant 0 : i32
        %dma_wait3A_83 = tpu.memref_slice %arg11[%dma_wait3A_81, %dma_wait3A_82] : memref<10240x128xf32, #tpu.memory_space<vmem_shared>> -> memref<10240x128xf32, #tpu.memory_space<vmem_shared>>
        tpu.wait_indirect_dma semaphore(%run_scoped3A : memref<!tpu.dma_semaphore, #tpu.memory_space<semaphore_mem>>) src(%arg10 : memref<128x128xf32, #tpu.memory_space<vmem>>) dst(%dma_wait3A_83 : memref<10240x128xf32, #tpu.memory_space<vmem_shared>>)
        tpu.yield
      }) : () -> ()
      %add3A_71 = arith.constant 3 : i32
      %add3A_72 = arith.addi %add3A_41, %add3A_71 : i32
      %lt3A_73 = arith.constant 80 : i32
      %lt3A_74 = arith.cmpi slt, %add3A_72, %lt3A_73 : i32
      %convert_element_type3A_75 = arith.extui %lt3A_74 : i1 to i32
      %cond3A_76 = arith.constant 0 : i32
      %cond3A_77 = arith.cmpi ne, %convert_element_type3A_75, %cond3A_76 : i32
      scf.if %cond3A_77 {
        %add3A_78 = arith.constant 3 : i32
        %add3A_79 = arith.addi %add3A_41, %add3A_78 : i32
        %mul3A_80 = arith.constant 128 : i32
        %mul3A_81 = arith.muli %add3A_79, %mul3A_80 : i32
        %add3A_82 = arith.addi %mul3A_2, %mul3A_81 : i32
        %dma_start3A_83 = tpu.memref_slice %arg3[%add3A_82] : memref<327680xi32, #tpu.memory_space<hbm>> -> memref<128xi32, #tpu.memory_space<hbm>>
        %dma_start3A_84 = tpu.memref_slice %arg3[%add3A_82] : memref<327680xi32, #tpu.memory_space<hbm>> -> memref<128xi32, #tpu.memory_space<hbm>>
        tpu.enqueue_dma source(%dma_start3A_84 : memref<128xi32, #tpu.memory_space<hbm>>) target(%arg8 : memref<128xi32, #tpu.memory_space<vmem>>) target_semaphore(%arg15 : memref<!tpu.dma_semaphore, #tpu.memory_space<semaphore_mem>>)
      } else {
      }
    }
    %scan3A_31 = arith.constant 40 : i32
    %barrier3A_32 = arith.constant 0 : index
    tpu.barrier barrier_id(%barrier3A_32)
    %mul3A_33 = arith.constant 640 : i32
    %mul3A_34 = arith.muli %arg1, %mul3A_33 : i32
    %mul3A_35 = arith.constant 640 : i32
    %mul3A_36 = arith.muli %arg1, %mul3A_35 : i32
    "tpu.region"() ({
      %run_scoped3A = tpu.sem_alloc : memref<!tpu.dma_semaphore, #tpu.memory_space<semaphore_mem>>
      %dma_start3A_37 = arith.constant 0 : i32
      %dma_start3A_38 = arith.constant 0 : i32
      %dma_start3A_39 = tpu.memref_slice %arg5[%arg0, %dma_start3A_37, %dma_start3A_38] : memref<2x10240x128xf32, #tpu.memory_space<hbm>> -> memref<1x10240x128xf32, #tpu.memory_space<hbm>>
      %dma_start3A_40 = tpu.memref_squeeze %dma_start3A_39 : memref<1x10240x128xf32, #tpu.memory_space<hbm>> -> memref<10240x128xf32, #tpu.memory_space<hbm>>
      %dma_start3A_41 = arith.constant 0 : i32
      %dma_start3A_42 = tpu.memref_slice %dma_start3A_40[%mul3A_36, %dma_start3A_41] : memref<10240x128xf32, #tpu.memory_space<hbm>> -> memref<640x128xf32, #tpu.memory_space<hbm>>
      %dma_start3A_43 = arith.constant 0 : i32
      %dma_start3A_44 = tpu.memref_slice %arg11[%mul3A_34, %dma_start3A_43] : memref<10240x128xf32, #tpu.memory_space<vmem_shared>> -> memref<640x128xf32, #tpu.memory_space<vmem_shared>>
      tpu.enqueue_dma source(%dma_start3A_44 : memref<640x128xf32, #tpu.memory_space<vmem_shared>>) target(%dma_start3A_42 : memref<640x128xf32, #tpu.memory_space<hbm>>) target_semaphore(%run_scoped3A : memref<!tpu.dma_semaphore, #tpu.memory_space<semaphore_mem>>)
      %dma_wait3A = arith.constant 0 : i32
      %dma_wait3A_45 = arith.constant 0 : i32
      %dma_wait3A_46 = tpu.memref_slice %arg5[%arg0, %dma_wait3A, %dma_wait3A_45] : memref<2x10240x128xf32, #tpu.memory_space<hbm>> -> memref<1x10240x128xf32, #tpu.memory_space<hbm>>
      %dma_wait3A_47 = tpu.memref_squeeze %dma_wait3A_46 : memref<1x10240x128xf32, #tpu.memory_space<hbm>> -> memref<10240x128xf32, #tpu.memory_space<hbm>>
      %dma_wait3A_48 = arith.constant 0 : i32
      %dma_wait3A_49 = tpu.memref_slice %dma_wait3A_47[%mul3A_36, %dma_wait3A_48] : memref<10240x128xf32, #tpu.memory_space<hbm>> -> memref<640x128xf32, #tpu.memory_space<hbm>>
      %dma_wait3A_50 = arith.constant 0 : i32
      %dma_wait3A_51 = tpu.memref_slice %arg11[%mul3A_34, %dma_wait3A_50] : memref<10240x128xf32, #tpu.memory_space<vmem_shared>> -> memref<640x128xf32, #tpu.memory_space<vmem_shared>>
      tpu.wait_dma2 semaphore(%run_scoped3A : memref<!tpu.dma_semaphore, #tpu.memory_space<semaphore_mem>>) src(%dma_wait3A_51 : memref<640x128xf32, #tpu.memory_space<vmem_shared>>) dst(%dma_wait3A_49 : memref<640x128xf32, #tpu.memory_space<hbm>>)
      tpu.yield
    }) : () -> ()
    return
  }
}

#map = affine_map<(d0, d1) -> (0, 0)>
#map1 = affine_map<(d0, d1) -> (0, 0, 0)>
module attributes {stable_mosaic.version = 14 : i64} {
  func.func @_deg_body(%arg0: i32, %arg1: i32, %arg2: memref<2560x128xi32, #tpu.memory_space<hbm>>, %arg3: memref<2x10240x128xf32, #tpu.memory_space<hbm>>, %arg4: memref<80x128xi32, #tpu.memory_space<vmem>>, %arg5: memref<128x128xf32, #tpu.memory_space<vmem>>, %arg6: memref<10240x128xf32, #tpu.memory_space<vmem_shared>>) attributes {dimension_semantics = [#tpu.dimension_semantics<core_parallel>, #tpu.dimension_semantics<subcore_parallel>], iteration_bounds = array<i64: 2, 16>, scalar_prefetch = 0 : i64, scratch_operands = 3 : i64, tpu.core_type = #tpu.core_type<sc_vector_subcore>, window_params = [{transform_indices = #map}, {transform_indices = #map1}]} {
    %mul3A = arith.constant 16 : i32
    %mul3A_0 = arith.muli %arg0, %mul3A : i32
    %add3A = arith.addi %mul3A_0, %arg1 : i32
    %mul3A_1 = arith.constant 80 : i32
    %mul3A_2 = arith.muli %add3A, %mul3A_1 : i32
    "tpu.region"() ({
      %run_scoped3A = tpu.sem_alloc : memref<!tpu.dma_semaphore, #tpu.memory_space<semaphore_mem>>
      %dma_start3A = arith.constant 0 : i32
      %dma_start3A_30 = tpu.memref_slice %arg2[%mul3A_2, %dma_start3A] : memref<2560x128xi32, #tpu.memory_space<hbm>> -> memref<80x128xi32, #tpu.memory_space<hbm>>
      %dma_start3A_31 = arith.constant 0 : i32
      %dma_start3A_32 = tpu.memref_slice %arg2[%mul3A_2, %dma_start3A_31] : memref<2560x128xi32, #tpu.memory_space<hbm>> -> memref<80x128xi32, #tpu.memory_space<hbm>>
      tpu.enqueue_dma source(%dma_start3A_32 : memref<80x128xi32, #tpu.memory_space<hbm>>) target(%arg4 : memref<80x128xi32, #tpu.memory_space<vmem>>) target_semaphore(%run_scoped3A : memref<!tpu.dma_semaphore, #tpu.memory_space<semaphore_mem>>)
      %dma_wait3A = arith.constant 0 : i32
      %dma_wait3A_33 = tpu.memref_slice %arg2[%mul3A_2, %dma_wait3A] : memref<2560x128xi32, #tpu.memory_space<hbm>> -> memref<80x128xi32, #tpu.memory_space<hbm>>
      %dma_wait3A_34 = arith.constant 0 : i32
      %dma_wait3A_35 = tpu.memref_slice %arg2[%mul3A_2, %dma_wait3A_34] : memref<2560x128xi32, #tpu.memory_space<hbm>> -> memref<80x128xi32, #tpu.memory_space<hbm>>
      tpu.wait_dma2 semaphore(%run_scoped3A : memref<!tpu.dma_semaphore, #tpu.memory_space<semaphore_mem>>) src(%dma_wait3A_35 : memref<80x128xi32, #tpu.memory_space<hbm>>) dst(%arg4 : memref<80x128xi32, #tpu.memory_space<vmem>>)
      tpu.yield
    }) : () -> ()
    %broadcast_in_dim3A = arith.constant 0.000000e+00 : f32
    %broadcast_in_dim3A_3 = vector.broadcast %broadcast_in_dim3A : f32 to vector<16xf32>
    %scan3A = arith.constant 0 : i32
    %scan3A_4 = arith.constant 128 : i32
    %scan3A_5 = arith.addi %scan3A, %scan3A_4 : i32
    %scan3A_6 = arith.constant 1 : i32
    scf.for %scan3A_30 = %scan3A to %scan3A_5 step %scan3A_6  : i32 {
      %mul3A_31 = arith.constant 1 : i32
      %mul3A_32 = arith.muli %scan3A_30, %mul3A_31 : i32
      %add3A_33 = arith.constant 0 : i32
      %add3A_34 = arith.addi %add3A_33, %mul3A_32 : i32
      %scan3A_35 = arith.constant 0 : i32
      %scan3A_36 = arith.constant 8 : i32
      %scan3A_37 = arith.addi %scan3A_35, %scan3A_36 : i32
      %scan3A_38 = arith.constant 1 : i32
      scf.for %scan3A_40 = %scan3A_35 to %scan3A_37 step %scan3A_38  : i32 {
        %mul3A_41 = arith.constant 1 : i32
        %mul3A_42 = arith.muli %scan3A_40, %mul3A_41 : i32
        %add3A_43 = arith.constant 0 : i32
        %add3A_44 = arith.addi %add3A_43, %mul3A_42 : i32
        %mul3A_45 = arith.constant 16 : i32
        %mul3A_46 = arith.muli %add3A_44, %mul3A_45 : i32
        %swap3A = arith.index_cast %add3A_34 : i32 to index
        %swap3A_47 = arith.index_cast %mul3A_46 : i32 to index
        %swap3A_48 = tpu.vector_load %arg5[%swap3A, %swap3A_47] {strides = array<i32>} : memref<128x128xf32, #tpu.memory_space<vmem>>, vector<1x16xf32>,
        %swap3A_49 = vector.shape_cast %swap3A_48 : vector<1x16xf32> to vector<16xf32>
        %swap3A_50 = vector.shape_cast %broadcast_in_dim3A_3 : vector<16xf32> to vector<1x16xf32>
        tpu.vector_store %arg5[%swap3A, %swap3A_47], %swap3A_50 {strides = array<i32>} : memref<128x128xf32, #tpu.memory_space<vmem>>, vector<1x16xf32>,
      }
      %scan3A_39 = arith.constant 8 : i32
    }
    %scan3A_7 = arith.constant 128 : i32
    %scan3A_8 = arith.constant 0 : i32
    %scan3A_9 = arith.constant 5 : i32
    %scan3A_10 = arith.addi %scan3A_8, %scan3A_9 : i32
    %scan3A_11 = arith.constant 1 : i32
    scf.for %scan3A_30 = %scan3A_8 to %scan3A_10 step %scan3A_11  : i32 {
      %mul3A_31 = arith.constant 1 : i32
      %mul3A_32 = arith.muli %scan3A_30, %mul3A_31 : i32
      %add3A_33 = arith.constant 0 : i32
      %add3A_34 = arith.addi %add3A_33, %mul3A_32 : i32
      %mul3A_35 = arith.constant 640 : i32
      %mul3A_36 = arith.muli %arg1, %mul3A_35 : i32
      %mul3A_37 = arith.constant 128 : i32
      %mul3A_38 = arith.muli %add3A_34, %mul3A_37 : i32
      %add3A_39 = arith.addi %mul3A_36, %mul3A_38 : i32
      "tpu.region"() ({
        %run_scoped3A = tpu.sem_alloc : memref<!tpu.dma_semaphore, #tpu.memory_space<semaphore_mem>>
        %dma_start3A = arith.constant 0 : i32
        %dma_start3A_40 = tpu.memref_slice %arg6[%add3A_39, %dma_start3A] : memref<10240x128xf32, #tpu.memory_space<vmem_shared>> -> memref<128x128xf32, #tpu.memory_space<vmem_shared>>
        %dma_start3A_41 = arith.constant 0 : i32
        %dma_start3A_42 = tpu.memref_slice %arg6[%add3A_39, %dma_start3A_41] : memref<10240x128xf32, #tpu.memory_space<vmem_shared>> -> memref<128x128xf32, #tpu.memory_space<vmem_shared>>
        tpu.enqueue_dma source(%arg5 : memref<128x128xf32, #tpu.memory_space<vmem>>) target(%dma_start3A_42 : memref<128x128xf32, #tpu.memory_space<vmem_shared>>) target_semaphore(%run_scoped3A : memref<!tpu.dma_semaphore, #tpu.memory_space<semaphore_mem>>)
        %dma_wait3A = arith.constant 0 : i32
        %dma_wait3A_43 = tpu.memref_slice %arg6[%add3A_39, %dma_wait3A] : memref<10240x128xf32, #tpu.memory_space<vmem_shared>> -> memref<128x128xf32, #tpu.memory_space<vmem_shared>>
        %dma_wait3A_44 = arith.constant 0 : i32
        %dma_wait3A_45 = tpu.memref_slice %arg6[%add3A_39, %dma_wait3A_44] : memref<10240x128xf32, #tpu.memory_space<vmem_shared>> -> memref<128x128xf32, #tpu.memory_space<vmem_shared>>
        tpu.wait_dma2 semaphore(%run_scoped3A : memref<!tpu.dma_semaphore, #tpu.memory_space<semaphore_mem>>) src(%arg5 : memref<128x128xf32, #tpu.memory_space<vmem>>) dst(%dma_wait3A_45 : memref<128x128xf32, #tpu.memory_space<vmem_shared>>)
        tpu.yield
      }) : () -> ()
    }
    %scan3A_12 = arith.constant 5 : i32
    %broadcast_in_dim3A_13 = arith.constant 1.000000e+00 : f32
    %broadcast_in_dim3A_14 = vector.broadcast %broadcast_in_dim3A_13 : f32 to vector<16xf32>
    %scan3A_15 = arith.constant 0 : i32
    %scan3A_16 = arith.constant 128 : i32
    %scan3A_17 = arith.addi %scan3A_15, %scan3A_16 : i32
    %scan3A_18 = arith.constant 1 : i32
    scf.for %scan3A_30 = %scan3A_15 to %scan3A_17 step %scan3A_18  : i32 {
      %mul3A_31 = arith.constant 1 : i32
      %mul3A_32 = arith.muli %scan3A_30, %mul3A_31 : i32
      %add3A_33 = arith.constant 0 : i32
      %add3A_34 = arith.addi %add3A_33, %mul3A_32 : i32
      %scan3A_35 = arith.constant 0 : i32
      %scan3A_36 = arith.constant 8 : i32
      %scan3A_37 = arith.addi %scan3A_35, %scan3A_36 : i32
      %scan3A_38 = arith.constant 1 : i32
      scf.for %scan3A_40 = %scan3A_35 to %scan3A_37 step %scan3A_38  : i32 {
        %mul3A_41 = arith.constant 1 : i32
        %mul3A_42 = arith.muli %scan3A_40, %mul3A_41 : i32
        %add3A_43 = arith.constant 0 : i32
        %add3A_44 = arith.addi %add3A_43, %mul3A_42 : i32
        %mul3A_45 = arith.constant 16 : i32
        %mul3A_46 = arith.muli %add3A_44, %mul3A_45 : i32
        %swap3A = arith.index_cast %add3A_34 : i32 to index
        %swap3A_47 = arith.index_cast %mul3A_46 : i32 to index
        %swap3A_48 = tpu.vector_load %arg5[%swap3A, %swap3A_47] {strides = array<i32>} : memref<128x128xf32, #tpu.memory_space<vmem>>, vector<1x16xf32>,
        %swap3A_49 = vector.shape_cast %swap3A_48 : vector<1x16xf32> to vector<16xf32>
        %swap3A_50 = vector.shape_cast %broadcast_in_dim3A_14 : vector<16xf32> to vector<1x16xf32>
        tpu.vector_store %arg5[%swap3A, %swap3A_47], %swap3A_50 {strides = array<i32>} : memref<128x128xf32, #tpu.memory_space<vmem>>, vector<1x16xf32>,
      }
      %scan3A_39 = arith.constant 8 : i32
    }
    %scan3A_19 = arith.constant 128 : i32
    %barrier3A = arith.constant 0 : index
    tpu.barrier barrier_id(%barrier3A)
    %scan3A_20 = arith.constant 0 : i32
    %scan3A_21 = arith.constant 80 : i32
    %scan3A_22 = arith.addi %scan3A_20, %scan3A_21 : i32
    %scan3A_23 = arith.constant 1 : i32
    scf.for %scan3A_30 = %scan3A_20 to %scan3A_22 step %scan3A_23  : i32 {
      %mul3A_31 = arith.constant 1 : i32
      %mul3A_32 = arith.muli %scan3A_30, %mul3A_31 : i32
      %add3A_33 = arith.constant 0 : i32
      %add3A_34 = arith.addi %add3A_33, %mul3A_32 : i32
      "tpu.region"() ({
        %run_scoped3A = tpu.sem_alloc : memref<!tpu.dma_semaphore, #tpu.memory_space<semaphore_mem>>
        %dma_start3A = arith.constant 0 : i32
        %dma_start3A_35 = tpu.memref_slice %arg4[%add3A_34, %dma_start3A] : memref<80x128xi32, #tpu.memory_space<vmem>> -> memref<1x128xi32, #tpu.memory_space<vmem>>
        %dma_start3A_36 = tpu.memref_squeeze %dma_start3A_35 : memref<1x128xi32, #tpu.memory_space<vmem>> -> memref<128xi32, #tpu.memory_space<vmem>>
        %dma_start3A_37 = arith.constant 0 : i32
        %dma_start3A_38 = arith.constant 0 : i32
        %dma_start3A_39 = tpu.memref_slice %arg6[%dma_start3A_37, %dma_start3A_38] : memref<10240x128xf32, #tpu.memory_space<vmem_shared>> -> memref<10240x128xf32, #tpu.memory_space<vmem_shared>>
        tpu.enqueue_indirect_dma source(%arg5 : memref<128x128xf32, #tpu.memory_space<vmem>>) target(%dma_start3A_39 : memref<10240x128xf32, #tpu.memory_space<vmem_shared>>) offsets(%dma_start3A_36 : memref<128xi32, #tpu.memory_space<vmem>>) semaphore(%run_scoped3A : memref<!tpu.dma_semaphore, #tpu.memory_space<semaphore_mem>>) {add = true}
        %dma_wait3A = arith.constant 0 : i32
        %dma_wait3A_40 = tpu.memref_slice %arg4[%add3A_34, %dma_wait3A] : memref<80x128xi32, #tpu.memory_space<vmem>> -> memref<1x128xi32, #tpu.memory_space<vmem>>
        %dma_wait3A_41 = tpu.memref_squeeze %dma_wait3A_40 : memref<1x128xi32, #tpu.memory_space<vmem>> -> memref<128xi32, #tpu.memory_space<vmem>>
        %dma_wait3A_42 = arith.constant 0 : i32
        %dma_wait3A_43 = arith.constant 0 : i32
        %dma_wait3A_44 = tpu.memref_slice %arg6[%dma_wait3A_42, %dma_wait3A_43] : memref<10240x128xf32, #tpu.memory_space<vmem_shared>> -> memref<10240x128xf32, #tpu.memory_space<vmem_shared>>
        tpu.wait_indirect_dma semaphore(%run_scoped3A : memref<!tpu.dma_semaphore, #tpu.memory_space<semaphore_mem>>) src(%arg5 : memref<128x128xf32, #tpu.memory_space<vmem>>) dst(%dma_wait3A_44 : memref<10240x128xf32, #tpu.memory_space<vmem_shared>>)
        tpu.yield
      }) : () -> ()
    }
    %scan3A_24 = arith.constant 80 : i32
    %barrier3A_25 = arith.constant 0 : index
    tpu.barrier barrier_id(%barrier3A_25)
    %mul3A_26 = arith.constant 640 : i32
    %mul3A_27 = arith.muli %arg1, %mul3A_26 : i32
    %mul3A_28 = arith.constant 640 : i32
    %mul3A_29 = arith.muli %arg1, %mul3A_28 : i32
    "tpu.region"() ({
      %run_scoped3A = tpu.sem_alloc : memref<!tpu.dma_semaphore, #tpu.memory_space<semaphore_mem>>
      %dma_start3A = arith.constant 0 : i32
      %dma_start3A_30 = arith.constant 0 : i32
      %dma_start3A_31 = tpu.memref_slice %arg3[%arg0, %dma_start3A, %dma_start3A_30] : memref<2x10240x128xf32, #tpu.memory_space<hbm>> -> memref<1x10240x128xf32, #tpu.memory_space<hbm>>
      %dma_start3A_32 = tpu.memref_squeeze %dma_start3A_31 : memref<1x10240x128xf32, #tpu.memory_space<hbm>> -> memref<10240x128xf32, #tpu.memory_space<hbm>>
      %dma_start3A_33 = arith.constant 0 : i32
      %dma_start3A_34 = tpu.memref_slice %dma_start3A_32[%mul3A_29, %dma_start3A_33] : memref<10240x128xf32, #tpu.memory_space<hbm>> -> memref<640x128xf32, #tpu.memory_space<hbm>>
      %dma_start3A_35 = arith.constant 0 : i32
      %dma_start3A_36 = tpu.memref_slice %arg6[%mul3A_27, %dma_start3A_35] : memref<10240x128xf32, #tpu.memory_space<vmem_shared>> -> memref<640x128xf32, #tpu.memory_space<vmem_shared>>
      tpu.enqueue_dma source(%dma_start3A_36 : memref<640x128xf32, #tpu.memory_space<vmem_shared>>) target(%dma_start3A_34 : memref<640x128xf32, #tpu.memory_space<hbm>>) target_semaphore(%run_scoped3A : memref<!tpu.dma_semaphore, #tpu.memory_space<semaphore_mem>>)
      %dma_wait3A = arith.constant 0 : i32
      %dma_wait3A_37 = arith.constant 0 : i32
      %dma_wait3A_38 = tpu.memref_slice %arg3[%arg0, %dma_wait3A, %dma_wait3A_37] : memref<2x10240x128xf32, #tpu.memory_space<hbm>> -> memref<1x10240x128xf32, #tpu.memory_space<hbm>>
      %dma_wait3A_39 = tpu.memref_squeeze %dma_wait3A_38 : memref<1x10240x128xf32, #tpu.memory_space<hbm>> -> memref<10240x128xf32, #tpu.memory_space<hbm>>
      %dma_wait3A_40 = arith.constant 0 : i32
      %dma_wait3A_41 = tpu.memref_slice %dma_wait3A_39[%mul3A_29, %dma_wait3A_40] : memref<10240x128xf32, #tpu.memory_space<hbm>> -> memref<640x128xf32, #tpu.memory_space<hbm>>
      %dma_wait3A_42 = arith.constant 0 : i32
      %dma_wait3A_43 = tpu.memref_slice %arg6[%mul3A_27, %dma_wait3A_42] : memref<10240x128xf32, #tpu.memory_space<vmem_shared>> -> memref<640x128xf32, #tpu.memory_space<vmem_shared>>
      tpu.wait_dma2 semaphore(%run_scoped3A : memref<!tpu.dma_semaphore, #tpu.memory_space<semaphore_mem>>) src(%dma_wait3A_43 : memref<640x128xf32, #tpu.memory_space<vmem_shared>>) dst(%dma_wait3A_41 : memref<640x128xf32, #tpu.memory_space<hbm>>)
      tpu.yield
    }) : () -> ()
    return
  }
}

#map = affine_map<(d0, d1) -> (0, 0)>
#map1 = affine_map<(d0, d1) -> (0)>
#map2 = affine_map<(d0, d1) -> (0, 0, 0)>
module attributes {stable_mosaic.version = 14 : i64} {
  func.func @_prop_body(%arg0: i32, %arg1: i32, %arg2: memref<2560x128xi32, #tpu.memory_space<hbm>>, %arg3: memref<327680xi32, #tpu.memory_space<hbm>>, %arg4: memref<10240x128xf32, #tpu.memory_space<hbm>>, %arg5: memref<2x10240x128xf32, #tpu.memory_space<hbm>>, %arg6: memref<80x128xi32, #tpu.memory_space<vmem>>, %arg7: memref<128xi32, #tpu.memory_space<vmem>>, %arg8: memref<128xi32, #tpu.memory_space<vmem>>, %arg9: memref<128x128xf32, #tpu.memory_space<vmem>>, %arg10: memref<128x128xf32, #tpu.memory_space<vmem>>, %arg11: memref<10240x128xf32, #tpu.memory_space<vmem_shared>>, %arg12: memref<!tpu.dma_semaphore, #tpu.memory_space<semaphore_mem>>, %arg13: memref<!tpu.dma_semaphore, #tpu.memory_space<semaphore_mem>>, %arg14: memref<!tpu.dma_semaphore, #tpu.memory_space<semaphore_mem>>, %arg15: memref<!tpu.dma_semaphore, #tpu.memory_space<semaphore_mem>>) attributes {dimension_semantics = [#tpu.dimension_semantics<core_parallel>, #tpu.dimension_semantics<subcore_parallel>], iteration_bounds = array<i64: 2, 16>, scalar_prefetch = 0 : i64, scratch_operands = 10 : i64, tpu.core_type = #tpu.core_type<sc_vector_subcore>, window_params = [{transform_indices = #map}, {transform_indices = #map1}, {transform_indices = #map}, {transform_indices = #map2}]} {
    %mul3A = arith.constant 16 : i32
    %mul3A_0 = arith.muli %arg0, %mul3A : i32
    %add3A = arith.addi %mul3A_0, %arg1 : i32
    %mul3A_1 = arith.constant 10240 : i32
    %mul3A_2 = arith.muli %add3A, %mul3A_1 : i32
    %mul3A_3 = arith.constant 80 : i32
    %mul3A_4 = arith.muli %add3A, %mul3A_3 : i32
    "tpu.region"() ({
      %run_scoped3A = tpu.sem_alloc : memref<!tpu.dma_semaphore, #tpu.memory_space<semaphore_mem>>
      %dma_start3A_37 = arith.constant 0 : i32
      %dma_start3A_38 = tpu.memref_slice %arg2[%mul3A_4, %dma_start3A_37] : memref<2560x128xi32, #tpu.memory_space<hbm>> -> memref<80x128xi32, #tpu.memory_space<hbm>>
      %dma_start3A_39 = arith.constant 0 : i32
      %dma_start3A_40 = tpu.memref_slice %arg2[%mul3A_4, %dma_start3A_39] : memref<2560x128xi32, #tpu.memory_space<hbm>> -> memref<80x128xi32, #tpu.memory_space<hbm>>
      tpu.enqueue_dma source(%dma_start3A_40 : memref<80x128xi32, #tpu.memory_space<hbm>>) target(%arg6 : memref<80x128xi32, #tpu.memory_space<vmem>>) target_semaphore(%run_scoped3A : memref<!tpu.dma_semaphore, #tpu.memory_space<semaphore_mem>>)
      %dma_wait3A = arith.constant 0 : i32
      %dma_wait3A_41 = tpu.memref_slice %arg2[%mul3A_4, %dma_wait3A] : memref<2560x128xi32, #tpu.memory_space<hbm>> -> memref<80x128xi32, #tpu.memory_space<hbm>>
      %dma_wait3A_42 = arith.constant 0 : i32
      %dma_wait3A_43 = tpu.memref_slice %arg2[%mul3A_4, %dma_wait3A_42] : memref<2560x128xi32, #tpu.memory_space<hbm>> -> memref<80x128xi32, #tpu.memory_space<hbm>>
      tpu.wait_dma2 semaphore(%run_scoped3A : memref<!tpu.dma_semaphore, #tpu.memory_space<semaphore_mem>>) src(%dma_wait3A_43 : memref<80x128xi32, #tpu.memory_space<hbm>>) dst(%arg6 : memref<80x128xi32, #tpu.memory_space<vmem>>)
      tpu.yield
    }) : () -> ()
    %broadcast_in_dim3A = arith.constant 0.000000e+00 : f32
    %broadcast_in_dim3A_5 = vector.broadcast %broadcast_in_dim3A : f32 to vector<16xf32>
    %scan3A = arith.constant 0 : i32
    %scan3A_6 = arith.constant 128 : i32
    %scan3A_7 = arith.addi %scan3A, %scan3A_6 : i32
    %scan3A_8 = arith.constant 1 : i32
    scf.for %scan3A_37 = %scan3A to %scan3A_7 step %scan3A_8  : i32 {
      %mul3A_38 = arith.constant 1 : i32
      %mul3A_39 = arith.muli %scan3A_37, %mul3A_38 : i32
      %add3A_40 = arith.constant 0 : i32
      %add3A_41 = arith.addi %add3A_40, %mul3A_39 : i32
      %scan3A_42 = arith.constant 0 : i32
      %scan3A_43 = arith.constant 8 : i32
      %scan3A_44 = arith.addi %scan3A_42, %scan3A_43 : i32
      %scan3A_45 = arith.constant 1 : i32
      scf.for %scan3A_47 = %scan3A_42 to %scan3A_44 step %scan3A_45  : i32 {
        %mul3A_48 = arith.constant 1 : i32
        %mul3A_49 = arith.muli %scan3A_47, %mul3A_48 : i32
        %add3A_50 = arith.constant 0 : i32
        %add3A_51 = arith.addi %add3A_50, %mul3A_49 : i32
        %mul3A_52 = arith.constant 16 : i32
        %mul3A_53 = arith.muli %add3A_51, %mul3A_52 : i32
        %swap3A = arith.index_cast %add3A_41 : i32 to index
        %swap3A_54 = arith.index_cast %mul3A_53 : i32 to index
        %swap3A_55 = tpu.vector_load %arg9[%swap3A, %swap3A_54] {strides = array<i32>} : memref<128x128xf32, #tpu.memory_space<vmem>>, vector<1x16xf32>,
        %swap3A_56 = vector.shape_cast %swap3A_55 : vector<1x16xf32> to vector<16xf32>
        %swap3A_57 = vector.shape_cast %broadcast_in_dim3A_5 : vector<16xf32> to vector<1x16xf32>
        tpu.vector_store %arg9[%swap3A, %swap3A_54], %swap3A_57 {strides = array<i32>} : memref<128x128xf32, #tpu.memory_space<vmem>>, vector<1x16xf32>,
      }
      %scan3A_46 = arith.constant 8 : i32
    }
    %scan3A_9 = arith.constant 128 : i32
    %scan3A_10 = arith.constant 0 : i32
    %scan3A_11 = arith.constant 5 : i32
    %scan3A_12 = arith.addi %scan3A_10, %scan3A_11 : i32
    %scan3A_13 = arith.constant 1 : i32
    scf.for %scan3A_37 = %scan3A_10 to %scan3A_12 step %scan3A_13  : i32 {
      %mul3A_38 = arith.constant 1 : i32
      %mul3A_39 = arith.muli %scan3A_37, %mul3A_38 : i32
      %add3A_40 = arith.constant 0 : i32
      %add3A_41 = arith.addi %add3A_40, %mul3A_39 : i32
      %mul3A_42 = arith.constant 640 : i32
      %mul3A_43 = arith.muli %arg1, %mul3A_42 : i32
      %mul3A_44 = arith.constant 128 : i32
      %mul3A_45 = arith.muli %add3A_41, %mul3A_44 : i32
      %add3A_46 = arith.addi %mul3A_43, %mul3A_45 : i32
      "tpu.region"() ({
        %run_scoped3A = tpu.sem_alloc : memref<!tpu.dma_semaphore, #tpu.memory_space<semaphore_mem>>
        %dma_start3A_47 = arith.constant 0 : i32
        %dma_start3A_48 = tpu.memref_slice %arg11[%add3A_46, %dma_start3A_47] : memref<10240x128xf32, #tpu.memory_space<vmem_shared>> -> memref<128x128xf32, #tpu.memory_space<vmem_shared>>
        %dma_start3A_49 = arith.constant 0 : i32
        %dma_start3A_50 = tpu.memref_slice %arg11[%add3A_46, %dma_start3A_49] : memref<10240x128xf32, #tpu.memory_space<vmem_shared>> -> memref<128x128xf32, #tpu.memory_space<vmem_shared>>
        tpu.enqueue_dma source(%arg9 : memref<128x128xf32, #tpu.memory_space<vmem>>) target(%dma_start3A_50 : memref<128x128xf32, #tpu.memory_space<vmem_shared>>) target_semaphore(%run_scoped3A : memref<!tpu.dma_semaphore, #tpu.memory_space<semaphore_mem>>)
        %dma_wait3A = arith.constant 0 : i32
        %dma_wait3A_51 = tpu.memref_slice %arg11[%add3A_46, %dma_wait3A] : memref<10240x128xf32, #tpu.memory_space<vmem_shared>> -> memref<128x128xf32, #tpu.memory_space<vmem_shared>>
        %dma_wait3A_52 = arith.constant 0 : i32
        %dma_wait3A_53 = tpu.memref_slice %arg11[%add3A_46, %dma_wait3A_52] : memref<10240x128xf32, #tpu.memory_space<vmem_shared>> -> memref<128x128xf32, #tpu.memory_space<vmem_shared>>
        tpu.wait_dma2 semaphore(%run_scoped3A : memref<!tpu.dma_semaphore, #tpu.memory_space<semaphore_mem>>) src(%arg9 : memref<128x128xf32, #tpu.memory_space<vmem>>) dst(%dma_wait3A_53 : memref<128x128xf32, #tpu.memory_space<vmem_shared>>)
        tpu.yield
      }) : () -> ()
    }
    %scan3A_14 = arith.constant 5 : i32
    %barrier3A = arith.constant 0 : index
    tpu.barrier barrier_id(%barrier3A)
    %dma_start3A = tpu.memref_slice %arg3[%mul3A_2] : memref<327680xi32, #tpu.memory_space<hbm>> -> memref<128xi32, #tpu.memory_space<hbm>>
    %dma_start3A_15 = tpu.memref_slice %arg3[%mul3A_2] : memref<327680xi32, #tpu.memory_space<hbm>> -> memref<128xi32, #tpu.memory_space<hbm>>
    tpu.enqueue_dma source(%dma_start3A_15 : memref<128xi32, #tpu.memory_space<hbm>>) target(%arg7 : memref<128xi32, #tpu.memory_space<vmem>>) target_semaphore(%arg14 : memref<!tpu.dma_semaphore, #tpu.memory_space<semaphore_mem>>)
    %dma_start3A_16 = arith.constant 0 : i32
    %dma_start3A_17 = arith.constant 0 : i32
    %dma_start3A_18 = tpu.memref_slice %arg6[%dma_start3A_16, %dma_start3A_17] : memref<80x128xi32, #tpu.memory_space<vmem>> -> memref<1x128xi32, #tpu.memory_space<vmem>>
    %dma_start3A_19 = tpu.memref_squeeze %dma_start3A_18 : memref<1x128xi32, #tpu.memory_space<vmem>> -> memref<128xi32, #tpu.memory_space<vmem>>
    %dma_start3A_20 = arith.constant 0 : i32
    %dma_start3A_21 = arith.constant 0 : i32
    %dma_start3A_22 = tpu.memref_slice %arg4[%dma_start3A_20, %dma_start3A_21] : memref<10240x128xf32, #tpu.memory_space<hbm>> -> memref<10240x128xf32, #tpu.memory_space<hbm>>
    tpu.enqueue_indirect_dma source(%dma_start3A_22 : memref<10240x128xf32, #tpu.memory_space<hbm>>) target(%arg9 : memref<128x128xf32, #tpu.memory_space<vmem>>) offsets(%dma_start3A_19 : memref<128xi32, #tpu.memory_space<vmem>>) semaphore(%arg12 : memref<!tpu.dma_semaphore, #tpu.memory_space<semaphore_mem>>)
    %add3A_23 = arith.constant 128 : i32
    %add3A_24 = arith.addi %mul3A_2, %add3A_23 : i32
    %dma_start3A_25 = tpu.memref_slice %arg3[%add3A_24] : memref<327680xi32, #tpu.memory_space<hbm>> -> memref<128xi32, #tpu.memory_space<hbm>>
    %dma_start3A_26 = tpu.memref_slice %arg3[%add3A_24] : memref<327680xi32, #tpu.memory_space<hbm>> -> memref<128xi32, #tpu.memory_space<hbm>>
    tpu.enqueue_dma source(%dma_start3A_26 : memref<128xi32, #tpu.memory_space<hbm>>) target(%arg8 : memref<128xi32, #tpu.memory_space<vmem>>) target_semaphore(%arg15 : memref<!tpu.dma_semaphore, #tpu.memory_space<semaphore_mem>>)
    %scan3A_27 = arith.constant 0 : i32
    %scan3A_28 = arith.constant 40 : i32
    %scan3A_29 = arith.addi %scan3A_27, %scan3A_28 : i32
    %scan3A_30 = arith.constant 1 : i32
    scf.for %scan3A_37 = %scan3A_27 to %scan3A_29 step %scan3A_30  : i32 {
      %mul3A_38 = arith.constant 2 : i32
      %mul3A_39 = arith.muli %scan3A_37, %mul3A_38 : i32
      %add3A_40 = arith.constant 0 : i32
      %add3A_41 = arith.addi %add3A_40, %mul3A_39 : i32
      %add3A_42 = arith.constant 1 : i32
      %add3A_43 = arith.addi %add3A_41, %add3A_42 : i32
      %dma_start3A_44 = arith.constant 0 : i32
      %dma_start3A_45 = tpu.memref_slice %arg6[%add3A_43, %dma_start3A_44] : memref<80x128xi32, #tpu.memory_space<vmem>> -> memref<1x128xi32, #tpu.memory_space<vmem>>
      %dma_start3A_46 = tpu.memref_squeeze %dma_start3A_45 : memref<1x128xi32, #tpu.memory_space<vmem>> -> memref<128xi32, #tpu.memory_space<vmem>>
      %dma_start3A_47 = arith.constant 0 : i32
      %dma_start3A_48 = arith.constant 0 : i32
      %dma_start3A_49 = tpu.memref_slice %arg4[%dma_start3A_47, %dma_start3A_48] : memref<10240x128xf32, #tpu.memory_space<hbm>> -> memref<10240x128xf32, #tpu.memory_space<hbm>>
      tpu.enqueue_indirect_dma source(%dma_start3A_49 : memref<10240x128xf32, #tpu.memory_space<hbm>>) target(%arg10 : memref<128x128xf32, #tpu.memory_space<vmem>>) offsets(%dma_start3A_46 : memref<128xi32, #tpu.memory_space<vmem>>) semaphore(%arg13 : memref<!tpu.dma_semaphore, #tpu.memory_space<semaphore_mem>>)
      %dma_wait3A = tpu.memref_slice %arg3[%mul3A_2] : memref<327680xi32, #tpu.memory_space<hbm>> -> memref<128xi32, #tpu.memory_space<hbm>>
      %dma_wait3A_50 = tpu.memref_slice %arg3[%mul3A_2] : memref<327680xi32, #tpu.memory_space<hbm>> -> memref<128xi32, #tpu.memory_space<hbm>>
      tpu.wait_dma2 semaphore(%arg14 : memref<!tpu.dma_semaphore, #tpu.memory_space<semaphore_mem>>) src(%dma_wait3A_50 : memref<128xi32, #tpu.memory_space<hbm>>) dst(%arg7 : memref<128xi32, #tpu.memory_space<vmem>>)
      %dma_wait3A_51 = arith.constant 0 : i32
      %dma_wait3A_52 = tpu.memref_slice %arg6[%add3A_41, %dma_wait3A_51] : memref<80x128xi32, #tpu.memory_space<vmem>> -> memref<1x128xi32, #tpu.memory_space<vmem>>
      %dma_wait3A_53 = tpu.memref_squeeze %dma_wait3A_52 : memref<1x128xi32, #tpu.memory_space<vmem>> -> memref<128xi32, #tpu.memory_space<vmem>>
      %dma_wait3A_54 = arith.constant 0 : i32
      %dma_wait3A_55 = arith.constant 0 : i32
      %dma_wait3A_56 = tpu.memref_slice %arg4[%dma_wait3A_54, %dma_wait3A_55] : memref<10240x128xf32, #tpu.memory_space<hbm>> -> memref<10240x128xf32, #tpu.memory_space<hbm>>
      tpu.wait_indirect_dma semaphore(%arg12 : memref<!tpu.dma_semaphore, #tpu.memory_space<semaphore_mem>>) src(%dma_wait3A_56 : memref<10240x128xf32, #tpu.memory_space<hbm>>) dst(%arg9 : memref<128x128xf32, #tpu.memory_space<vmem>>)
      "tpu.region"() ({
        %run_scoped3A = tpu.sem_alloc : memref<!tpu.dma_semaphore, #tpu.memory_space<semaphore_mem>>
        %dma_start3A_78 = arith.constant 0 : i32
        %dma_start3A_79 = arith.constant 0 : i32
        %dma_start3A_80 = tpu.memref_slice %arg11[%dma_start3A_78, %dma_start3A_79] : memref<10240x128xf32, #tpu.memory_space<vmem_shared>> -> memref<10240x128xf32, #tpu.memory_space<vmem_shared>>
        tpu.enqueue_indirect_dma source(%arg9 : memref<128x128xf32, #tpu.memory_space<vmem>>) target(%dma_start3A_80 : memref<10240x128xf32, #tpu.memory_space<vmem_shared>>) offsets(%arg7 : memref<128xi32, #tpu.memory_space<vmem>>) semaphore(%run_scoped3A : memref<!tpu.dma_semaphore, #tpu.memory_space<semaphore_mem>>) {add = true}
        %dma_wait3A_81 = arith.constant 0 : i32
        %dma_wait3A_82 = arith.constant 0 : i32
        %dma_wait3A_83 = tpu.memref_slice %arg11[%dma_wait3A_81, %dma_wait3A_82] : memref<10240x128xf32, #tpu.memory_space<vmem_shared>> -> memref<10240x128xf32, #tpu.memory_space<vmem_shared>>
        tpu.wait_indirect_dma semaphore(%run_scoped3A : memref<!tpu.dma_semaphore, #tpu.memory_space<semaphore_mem>>) src(%arg9 : memref<128x128xf32, #tpu.memory_space<vmem>>) dst(%dma_wait3A_83 : memref<10240x128xf32, #tpu.memory_space<vmem_shared>>)
        tpu.yield
      }) : () -> ()
      %add3A_57 = arith.constant 2 : i32
      %add3A_58 = arith.addi %add3A_41, %add3A_57 : i32
      %lt3A = arith.constant 80 : i32
      %lt3A_59 = arith.cmpi slt, %add3A_58, %lt3A : i32
      %convert_element_type3A = arith.extui %lt3A_59 : i1 to i32
      %cond3A = arith.constant 0 : i32
      %cond3A_60 = arith.cmpi ne, %convert_element_type3A, %cond3A : i32
      scf.if %cond3A_60 {
        %add3A_78 = arith.constant 2 : i32
        %add3A_79 = arith.addi %add3A_41, %add3A_78 : i32
        %mul3A_80 = arith.constant 128 : i32
        %mul3A_81 = arith.muli %add3A_79, %mul3A_80 : i32
        %add3A_82 = arith.addi %mul3A_2, %mul3A_81 : i32
        %dma_start3A_83 = tpu.memref_slice %arg3[%add3A_82] : memref<327680xi32, #tpu.memory_space<hbm>> -> memref<128xi32, #tpu.memory_space<hbm>>
        %dma_start3A_84 = tpu.memref_slice %arg3[%add3A_82] : memref<327680xi32, #tpu.memory_space<hbm>> -> memref<128xi32, #tpu.memory_space<hbm>>
        tpu.enqueue_dma source(%dma_start3A_84 : memref<128xi32, #tpu.memory_space<hbm>>) target(%arg7 : memref<128xi32, #tpu.memory_space<vmem>>) target_semaphore(%arg14 : memref<!tpu.dma_semaphore, #tpu.memory_space<semaphore_mem>>)
        %add3A_85 = arith.constant 2 : i32
        %add3A_86 = arith.addi %add3A_41, %add3A_85 : i32
        %dma_start3A_87 = arith.constant 0 : i32
        %dma_start3A_88 = tpu.memref_slice %arg6[%add3A_86, %dma_start3A_87] : memref<80x128xi32, #tpu.memory_space<vmem>> -> memref<1x128xi32, #tpu.memory_space<vmem>>
        %dma_start3A_89 = tpu.memref_squeeze %dma_start3A_88 : memref<1x128xi32, #tpu.memory_space<vmem>> -> memref<128xi32, #tpu.memory_space<vmem>>
        %dma_start3A_90 = arith.constant 0 : i32
        %dma_start3A_91 = arith.constant 0 : i32
        %dma_start3A_92 = tpu.memref_slice %arg4[%dma_start3A_90, %dma_start3A_91] : memref<10240x128xf32, #tpu.memory_space<hbm>> -> memref<10240x128xf32, #tpu.memory_space<hbm>>
        tpu.enqueue_indirect_dma source(%dma_start3A_92 : memref<10240x128xf32, #tpu.memory_space<hbm>>) target(%arg9 : memref<128x128xf32, #tpu.memory_space<vmem>>) offsets(%dma_start3A_89 : memref<128xi32, #tpu.memory_space<vmem>>) semaphore(%arg12 : memref<!tpu.dma_semaphore, #tpu.memory_space<semaphore_mem>>)
      } else {
      }
      %dma_wait3A_61 = tpu.memref_slice %arg3[%mul3A_2] : memref<327680xi32, #tpu.memory_space<hbm>> -> memref<128xi32, #tpu.memory_space<hbm>>
      %dma_wait3A_62 = tpu.memref_slice %arg3[%mul3A_2] : memref<327680xi32, #tpu.memory_space<hbm>> -> memref<128xi32, #tpu.memory_space<hbm>>
      tpu.wait_dma2 semaphore(%arg15 : memref<!tpu.dma_semaphore, #tpu.memory_space<semaphore_mem>>) src(%dma_wait3A_62 : memref<128xi32, #tpu.memory_space<hbm>>) dst(%arg8 : memref<128xi32, #tpu.memory_space<vmem>>)
      %add3A_63 = arith.constant 1 : i32
      %add3A_64 = arith.addi %add3A_41, %add3A_63 : i32
      %dma_wait3A_65 = arith.constant 0 : i32
      %dma_wait3A_66 = tpu.memref_slice %arg6[%add3A_64, %dma_wait3A_65] : memref<80x128xi32, #tpu.memory_space<vmem>> -> memref<1x128xi32, #tpu.memory_space<vmem>>
      %dma_wait3A_67 = tpu.memref_squeeze %dma_wait3A_66 : memref<1x128xi32, #tpu.memory_space<vmem>> -> memref<128xi32, #tpu.memory_space<vmem>>
      %dma_wait3A_68 = arith.constant 0 : i32
      %dma_wait3A_69 = arith.constant 0 : i32
      %dma_wait3A_70 = tpu.memref_slice %arg4[%dma_wait3A_68, %dma_wait3A_69] : memref<10240x128xf32, #tpu.memory_space<hbm>> -> memref<10240x128xf32, #tpu.memory_space<hbm>>
      tpu.wait_indirect_dma semaphore(%arg13 : memref<!tpu.dma_semaphore, #tpu.memory_space<semaphore_mem>>) src(%dma_wait3A_70 : memref<10240x128xf32, #tpu.memory_space<hbm>>) dst(%arg10 : memref<128x128xf32, #tpu.memory_space<vmem>>)
      "tpu.region"() ({
        %run_scoped3A = tpu.sem_alloc : memref<!tpu.dma_semaphore, #tpu.memory_space<semaphore_mem>>
        %dma_start3A_78 = arith.constant 0 : i32
        %dma_start3A_79 = arith.constant 0 : i32
        %dma_start3A_80 = tpu.memref_slice %arg11[%dma_start3A_78, %dma_start3A_79] : memref<10240x128xf32, #tpu.memory_space<vmem_shared>> -> memref<10240x128xf32, #tpu.memory_space<vmem_shared>>
        tpu.enqueue_indirect_dma source(%arg10 : memref<128x128xf32, #tpu.memory_space<vmem>>) target(%dma_start3A_80 : memref<10240x128xf32, #tpu.memory_space<vmem_shared>>) offsets(%arg8 : memref<128xi32, #tpu.memory_space<vmem>>) semaphore(%run_scoped3A : memref<!tpu.dma_semaphore, #tpu.memory_space<semaphore_mem>>) {add = true}
        %dma_wait3A_81 = arith.constant 0 : i32
        %dma_wait3A_82 = arith.constant 0 : i32
        %dma_wait3A_83 = tpu.memref_slice %arg11[%dma_wait3A_81, %dma_wait3A_82] : memref<10240x128xf32, #tpu.memory_space<vmem_shared>> -> memref<10240x128xf32, #tpu.memory_space<vmem_shared>>
        tpu.wait_indirect_dma semaphore(%run_scoped3A : memref<!tpu.dma_semaphore, #tpu.memory_space<semaphore_mem>>) src(%arg10 : memref<128x128xf32, #tpu.memory_space<vmem>>) dst(%dma_wait3A_83 : memref<10240x128xf32, #tpu.memory_space<vmem_shared>>)
        tpu.yield
      }) : () -> ()
      %add3A_71 = arith.constant 3 : i32
      %add3A_72 = arith.addi %add3A_41, %add3A_71 : i32
      %lt3A_73 = arith.constant 80 : i32
      %lt3A_74 = arith.cmpi slt, %add3A_72, %lt3A_73 : i32
      %convert_element_type3A_75 = arith.extui %lt3A_74 : i1 to i32
      %cond3A_76 = arith.constant 0 : i32
      %cond3A_77 = arith.cmpi ne, %convert_element_type3A_75, %cond3A_76 : i32
      scf.if %cond3A_77 {
        %add3A_78 = arith.constant 3 : i32
        %add3A_79 = arith.addi %add3A_41, %add3A_78 : i32
        %mul3A_80 = arith.constant 128 : i32
        %mul3A_81 = arith.muli %add3A_79, %mul3A_80 : i32
        %add3A_82 = arith.addi %mul3A_2, %mul3A_81 : i32
        %dma_start3A_83 = tpu.memref_slice %arg3[%add3A_82] : memref<327680xi32, #tpu.memory_space<hbm>> -> memref<128xi32, #tpu.memory_space<hbm>>
        %dma_start3A_84 = tpu.memref_slice %arg3[%add3A_82] : memref<327680xi32, #tpu.memory_space<hbm>> -> memref<128xi32, #tpu.memory_space<hbm>>
        tpu.enqueue_dma source(%dma_start3A_84 : memref<128xi32, #tpu.memory_space<hbm>>) target(%arg8 : memref<128xi32, #tpu.memory_space<vmem>>) target_semaphore(%arg15 : memref<!tpu.dma_semaphore, #tpu.memory_space<semaphore_mem>>)
      } else {
      }
    }
    %scan3A_31 = arith.constant 40 : i32
    %barrier3A_32 = arith.constant 0 : index
    tpu.barrier barrier_id(%barrier3A_32)
    %mul3A_33 = arith.constant 640 : i32
    %mul3A_34 = arith.muli %arg1, %mul3A_33 : i32
    %mul3A_35 = arith.constant 640 : i32
    %mul3A_36 = arith.muli %arg1, %mul3A_35 : i32
    "tpu.region"() ({
      %run_scoped3A = tpu.sem_alloc : memref<!tpu.dma_semaphore, #tpu.memory_space<semaphore_mem>>
      %dma_start3A_37 = arith.constant 0 : i32
      %dma_start3A_38 = arith.constant 0 : i32
      %dma_start3A_39 = tpu.memref_slice %arg5[%arg0, %dma_start3A_37, %dma_start3A_38] : memref<2x10240x128xf32, #tpu.memory_space<hbm>> -> memref<1x10240x128xf32, #tpu.memory_space<hbm>>
      %dma_start3A_40 = tpu.memref_squeeze %dma_start3A_39 : memref<1x10240x128xf32, #tpu.memory_space<hbm>> -> memref<10240x128xf32, #tpu.memory_space<hbm>>
      %dma_start3A_41 = arith.constant 0 : i32
      %dma_start3A_42 = tpu.memref_slice %dma_start3A_40[%mul3A_36, %dma_start3A_41] : memref<10240x128xf32, #tpu.memory_space<hbm>> -> memref<640x128xf32, #tpu.memory_space<hbm>>
      %dma_start3A_43 = arith.constant 0 : i32
      %dma_start3A_44 = tpu.memref_slice %arg11[%mul3A_34, %dma_start3A_43] : memref<10240x128xf32, #tpu.memory_space<vmem_shared>> -> memref<640x128xf32, #tpu.memory_space<vmem_shared>>
      tpu.enqueue_dma source(%dma_start3A_44 : memref<640x128xf32, #tpu.memory_space<vmem_shared>>) target(%dma_start3A_42 : memref<640x128xf32, #tpu.memory_space<hbm>>) target_semaphore(%run_scoped3A : memref<!tpu.dma_semaphore, #tpu.memory_space<semaphore_mem>>)
      %dma_wait3A = arith.constant 0 : i32
      %dma_wait3A_45 = arith.constant 0 : i32
      %dma_wait3A_46 = tpu.memref_slice %arg5[%arg0, %dma_wait3A, %dma_wait3A_45] : memref<2x10240x128xf32, #tpu.memory_space<hbm>> -> memref<1x10240x128xf32, #tpu.memory_space<hbm>>
      %dma_wait3A_47 = tpu.memref_squeeze %dma_wait3A_46 : memref<1x10240x128xf32, #tpu.memory_space<hbm>> -> memref<10240x128xf32, #tpu.memory_space<hbm>>
      %dma_wait3A_48 = arith.constant 0 : i32
      %dma_wait3A_49 = tpu.memref_slice %dma_wait3A_47[%mul3A_36, %dma_wait3A_48] : memref<10240x128xf32, #tpu.memory_space<hbm>> -> memref<640x128xf32, #tpu.memory_space<hbm>>
      %dma_wait3A_50 = arith.constant 0 : i32
      %dma_wait3A_51 = tpu.memref_slice %arg11[%mul3A_34, %dma_wait3A_50] : memref<10240x128xf32, #tpu.memory_space<vmem_shared>> -> memref<640x128xf32, #tpu.memory_space<vmem_shared>>
      tpu.wait_dma2 semaphore(%run_scoped3A : memref<!tpu.dma_semaphore, #tpu.memory_space<semaphore_mem>>) src(%dma_wait3A_51 : memref<640x128xf32, #tpu.memory_space<vmem_shared>>) dst(%dma_wait3A_49 : memref<640x128xf32, #tpu.memory_space<hbm>>)
      tpu.yield
    }) : () -> ()
    return
  }
}

module attributes {stable_mosaic.version = 14 : i64} {
  func.func @_prep_body(%arg0: i32, %arg1: memref<1x1000x128xf32, #tpu.memory_space<vmem>>, %arg2: memref<1x1000x128xf32, #tpu.memory_space<vmem>>, %arg3: memref<1000x128xf32, #tpu.memory_space<vmem>>, %arg4: memref<1000x128xf32, #tpu.memory_space<vmem>>, %arg5: memref<1000x1xf32, #tpu.memory_space<vmem>>) attributes {dimension_semantics = [#tpu.dimension_semantics<arbitrary>], iteration_bounds = array<i64: 10>, scalar_prefetch = 0 : i64, scratch_operands = 0 : i64, tpu.core_type = #tpu.core_type<tc>, window_params = [{transform_indices = @transform_0, window_bounds = array<i64: 1, 1000, 128>}, {transform_indices = @transform_1, window_bounds = array<i64: 1, 1000, 128>}, {transform_indices = @transform_2, window_bounds = array<i64: 1000, 128>}, {transform_indices = @transform_3, window_bounds = array<i64: 1000, 128>}, {transform_indices = @transform_4, window_bounds = array<i64: 1000, 1>}]} {
    %get3A = arith.constant 0 : index
    %get3A_0 = arith.constant 0 : index
    %get3A_1 = arith.constant 0 : index
    %get3A_2 = vector.load %arg1[%get3A, %get3A_0, %get3A_1] : memref<1x1000x128xf32, #tpu.memory_space<vmem>>, vector<1x1000x128xf32>
    %get3A_3 = vector.shape_cast %get3A_2 : vector<1x1000x128xf32> to vector<1000x128xf32>
    %slice3A = vector.extract_strided_slice %get3A_3 {offsets = [0, 0], sizes = [1000, 1], strides = [1, 1]} : vector<1000x128xf32> to vector<1000x1xf32>
    %get3A_4 = arith.constant 0 : index
    %get3A_5 = arith.constant 0 : index
    %get3A_6 = arith.constant 0 : index
    %get3A_7 = vector.load %arg2[%get3A_4, %get3A_5, %get3A_6] : memref<1x1000x128xf32, #tpu.memory_space<vmem>>, vector<1x1000x128xf32>
    %get3A_8 = vector.shape_cast %get3A_7 : vector<1x1000x128xf32> to vector<1000x128xf32>
    %slice3A_9 = vector.extract_strided_slice %get3A_8 {offsets = [0, 0], sizes = [1000, 1], strides = [1, 1]} : vector<1000x128xf32> to vector<1000x1xf32>
    %add3A = arith.addf %slice3A, %slice3A_9 : vector<1000x1xf32>
    %gt3A = arith.constant 0.000000e+00 : f32
    %gt3A_10 = vector.broadcast %gt3A : f32 to vector<1000x1xf32>
    %gt3A_11 = arith.cmpf ogt, %add3A, %gt3A_10 : vector<1000x1xf32>
    %gt3A_12 = arith.constant 0.000000e+00 : f32
    %gt3A_13 = vector.broadcast %gt3A_12 : f32 to vector<1000x1xf32>
    %gt3A_14 = arith.cmpf ogt, %add3A, %gt3A_13 : vector<1000x1xf32>
    %jit3A = arith.constant 1.000000e+00 : f32
    %broadcast_in_dim3A = vector.broadcast %jit3A : f32 to vector<1000x1xf32>
    %select_n3A = arith.select %gt3A_14, %add3A, %broadcast_in_dim3A : vector<1000x1xi1>, vector<1000x1xf32>
    %rsqrt3A = math.rsqrt %select_n3A : vector<1000x1xf32>
    %jit3A_15 = arith.constant 0.000000e+00 : f32
    %broadcast_in_dim3A_16 = vector.broadcast %jit3A_15 : f32 to vector<1000x1xf32>
    %select_n3A_17 = arith.select %gt3A_11, %rsqrt3A, %broadcast_in_dim3A_16 : vector<1000x1xi1>, vector<1000x1xf32>
    %swap3A = arith.constant 0 : index
    %swap3A_18 = arith.constant 0 : index
    %swap3A_19 = vector.load %arg5[%swap3A, %swap3A_18] : memref<1000x1xf32, #tpu.memory_space<vmem>>, vector<1000x1xf32>
    tpu.vector_store %arg5[%swap3A, %swap3A_18], %select_n3A_17 {strides = array<i32>} : memref<1000x1xf32, #tpu.memory_space<vmem>>, vector<1000x1xf32>,
    %get3A_20 = arith.constant 0 : index
    %get3A_21 = arith.constant 0 : index
    %get3A_22 = vector.load %arg3[%get3A_20, %get3A_21] : memref<1000x128xf32, #tpu.memory_space<vmem>>, vector<1000x128xf32>
    %mul3A = vector.broadcast %select_n3A_17 : vector<1000x1xf32> to vector<1000x128xf32>
    %mul3A_23 = arith.mulf %get3A_22, %mul3A : vector<1000x128xf32>
    %swap3A_24 = arith.constant 0 : index
    %swap3A_25 = arith.constant 0 : index
    %swap3A_26 = vector.load %arg4[%swap3A_24, %swap3A_25] : memref<1000x128xf32, #tpu.memory_space<vmem>>, vector<1000x128xf32>
    tpu.vector_store %arg4[%swap3A_24, %swap3A_25], %mul3A_23 {strides = array<i32>} : memref<1000x128xf32, #tpu.memory_space<vmem>>, vector<1000x128xf32>,
    return
  }
  func.func @transform_0(%arg0: i32) -> (i32, i32, i32) {
    %c0_i32 = arith.constant 0 : i32
    %c0_i32_0 = arith.constant 0 : i32
    %c0_i32_1 = arith.constant 0 : i32
    return %c0_i32, %arg0, %c0_i32_0 : i32, i32, i32
  }
  func.func @transform_1(%arg0: i32) -> (i32, i32, i32) {
    %c1_i32 = arith.constant 1 : i32
    %c0_i32 = arith.constant 0 : i32
    %c0_i32_0 = arith.constant 0 : i32
    return %c1_i32, %arg0, %c0_i32 : i32, i32, i32
  }
  func.func @transform_2(%arg0: i32) -> (i32, i32) {
    %c0_i32 = arith.constant 0 : i32
    %c0_i32_0 = arith.constant 0 : i32
    return %arg0, %c0_i32 : i32, i32
  }
  func.func @transform_3(%arg0: i32) -> (i32, i32) {
    %c0_i32 = arith.constant 0 : i32
    %c0_i32_0 = arith.constant 0 : i32
    return %arg0, %c0_i32 : i32, i32
  }
  func.func @transform_4(%arg0: i32) -> (i32, i32) {
    %c0_i32 = arith.constant 0 : i32
    %c0_i32_0 = arith.constant 0 : i32
    return %arg0, %c0_i32 : i32, i32
  }
}

module attributes {stable_mosaic.version = 14 : i64} {
  func.func @_mid_body(%arg0: i32, %arg1: memref<1x1000x128xf32, #tpu.memory_space<vmem>>, %arg2: memref<1x1000x128xf32, #tpu.memory_space<vmem>>, %arg3: memref<1000x1xf32, #tpu.memory_space<vmem>>, %arg4: memref<1000x128xf32, #tpu.memory_space<vmem>>, %arg5: memref<1000x128xf32, #tpu.memory_space<vmem>>) attributes {dimension_semantics = [#tpu.dimension_semantics<arbitrary>], iteration_bounds = array<i64: 10>, scalar_prefetch = 0 : i64, scratch_operands = 0 : i64, tpu.core_type = #tpu.core_type<tc>, window_params = [{transform_indices = @transform_0, window_bounds = array<i64: 1, 1000, 128>}, {transform_indices = @transform_1, window_bounds = array<i64: 1, 1000, 128>}, {transform_indices = @transform_2, window_bounds = array<i64: 1000, 1>}, {transform_indices = @transform_3, window_bounds = array<i64: 1000, 128>}, {transform_indices = @transform_4, window_bounds = array<i64: 1000, 128>}]} {
    %get3A = arith.constant 0 : index
    %get3A_0 = arith.constant 0 : index
    %get3A_1 = vector.load %arg3[%get3A, %get3A_0] : memref<1000x1xf32, #tpu.memory_space<vmem>>, vector<1000x1xf32>
    %get3A_2 = arith.constant 0 : index
    %get3A_3 = arith.constant 0 : index
    %get3A_4 = arith.constant 0 : index
    %get3A_5 = vector.load %arg1[%get3A_2, %get3A_3, %get3A_4] : memref<1x1000x128xf32, #tpu.memory_space<vmem>>, vector<1x1000x128xf32>
    %get3A_6 = vector.shape_cast %get3A_5 : vector<1x1000x128xf32> to vector<1000x128xf32>
    %get3A_7 = arith.constant 0 : index
    %get3A_8 = arith.constant 0 : index
    %get3A_9 = arith.constant 0 : index
    %get3A_10 = vector.load %arg2[%get3A_7, %get3A_8, %get3A_9] : memref<1x1000x128xf32, #tpu.memory_space<vmem>>, vector<1x1000x128xf32>
    %get3A_11 = vector.shape_cast %get3A_10 : vector<1x1000x128xf32> to vector<1000x128xf32>
    %add3A = arith.addf %get3A_6, %get3A_11 : vector<1000x128xf32>
    %mul3A = vector.broadcast %get3A_1 : vector<1000x1xf32> to vector<1000x128xf32>
    %mul3A_12 = arith.mulf %add3A, %mul3A : vector<1000x128xf32>
    %swap3A = arith.constant 0 : index
    %swap3A_13 = arith.constant 0 : index
    %swap3A_14 = vector.load %arg4[%swap3A, %swap3A_13] : memref<1000x128xf32, #tpu.memory_space<vmem>>, vector<1000x128xf32>
    tpu.vector_store %arg4[%swap3A, %swap3A_13], %mul3A_12 {strides = array<i32>} : memref<1000x128xf32, #tpu.memory_space<vmem>>, vector<1000x128xf32>,
    %mul3A_15 = vector.broadcast %get3A_1 : vector<1000x1xf32> to vector<1000x128xf32>
    %mul3A_16 = arith.mulf %mul3A_12, %mul3A_15 : vector<1000x128xf32>
    %swap3A_17 = arith.constant 0 : index
    %swap3A_18 = arith.constant 0 : index
    %swap3A_19 = vector.load %arg5[%swap3A_17, %swap3A_18] : memref<1000x128xf32, #tpu.memory_space<vmem>>, vector<1000x128xf32>
    tpu.vector_store %arg5[%swap3A_17, %swap3A_18], %mul3A_16 {strides = array<i32>} : memref<1000x128xf32, #tpu.memory_space<vmem>>, vector<1000x128xf32>,
    return
  }
  func.func @transform_0(%arg0: i32) -> (i32, i32, i32) {
    %c0_i32 = arith.constant 0 : i32
    %c0_i32_0 = arith.constant 0 : i32
    %c0_i32_1 = arith.constant 0 : i32
    return %c0_i32, %arg0, %c0_i32_0 : i32, i32, i32
  }
  func.func @transform_1(%arg0: i32) -> (i32, i32, i32) {
    %c1_i32 = arith.constant 1 : i32
    %c0_i32 = arith.constant 0 : i32
    %c0_i32_0 = arith.constant 0 : i32
    return %c1_i32, %arg0, %c0_i32 : i32, i32, i32
  }
  func.func @transform_2(%arg0: i32) -> (i32, i32) {
    %c0_i32 = arith.constant 0 : i32
    %c0_i32_0 = arith.constant 0 : i32
    return %arg0, %c0_i32 : i32, i32
  }
  func.func @transform_3(%arg0: i32) -> (i32, i32) {
    %c0_i32 = arith.constant 0 : i32
    %c0_i32_0 = arith.constant 0 : i32
    return %arg0, %c0_i32 : i32, i32
  }
  func.func @transform_4(%arg0: i32) -> (i32, i32) {
    %c0_i32 = arith.constant 0 : i32
    %c0_i32_0 = arith.constant 0 : i32
    return %arg0, %c0_i32 : i32, i32
  }
}

module attributes {stable_mosaic.version = 14 : i64} {
  func.func @_dense_body(%arg0: i32, %arg1: i32, %arg2: memref<1x1000x128xf32, #tpu.memory_space<vmem>>, %arg3: memref<1x1000x128xf32, #tpu.memory_space<vmem>>, %arg4: memref<1000x1xf32, #tpu.memory_space<vmem>>, %arg5: memref<1000x128xf32, #tpu.memory_space<vmem>>, %arg6: memref<1000x128xf32, #tpu.memory_space<vmem>>, %arg7: memref<128x128xf32, #tpu.memory_space<vmem>>, %arg8: memref<1x128xf32, #tpu.memory_space<vmem>>, %arg9: memref<128x128xf32, #tpu.memory_space<vmem>>, %arg10: memref<1x128xf32, #tpu.memory_space<vmem>>, %arg11: memref<128x128xf32, #tpu.memory_space<vmem>>, %arg12: memref<1x128xf32, #tpu.memory_space<vmem>>, %arg13: memref<1x384xf32, #tpu.memory_space<vmem>>, %arg14: memref<1x384xf32, #tpu.memory_space<vmem>>, %arg15: memref<384x256xf32, #tpu.memory_space<vmem>>, %arg16: memref<1x256xf32, #tpu.memory_space<vmem>>, %arg17: memref<256x128xf32, #tpu.memory_space<vmem>>, %arg18: memref<1x128xf32, #tpu.memory_space<vmem>>, %arg19: memref<1x128xf32, #tpu.memory_space<vmem>>, %arg20: memref<1x128xf32, #tpu.memory_space<vmem>>, %arg21: memref<1000x128xf32, #tpu.memory_space<vmem>>, %arg22: memref<10000x384xf32, #tpu.memory_space<vmem>>, %arg23: memref<10000x128xf32, #tpu.memory_space<vmem>>, %arg24: memref<8x384xf32, #tpu.memory_space<vmem>>, %arg25: memref<8x128xf32, #tpu.memory_space<vmem>>) attributes {dimension_semantics = [#tpu.dimension_semantics<arbitrary>, #tpu.dimension_semantics<arbitrary>], iteration_bounds = array<i64: 3, 10>, scalar_prefetch = 0 : i64, scratch_operands = 4 : i64, tpu.core_type = #tpu.core_type<tc>, window_params = [{transform_indices = @transform_0, window_bounds = array<i64: 1, 1000, 128>}, {transform_indices = @transform_1, window_bounds = array<i64: 1, 1000, 128>}, {transform_indices = @transform_2, window_bounds = array<i64: 1000, 1>}, {transform_indices = @transform_3, window_bounds = array<i64: 1000, 128>}, {transform_indices = @transform_4, window_bounds = array<i64: 1000, 128>}, {pipeline_mode = #tpu.pipeline_mode<synchronous>, transform_indices = @transform_5, window_bounds = array<i64: 128, 128>}, {pipeline_mode = #tpu.pipeline_mode<synchronous>, transform_indices = @transform_6, window_bounds = array<i64: 1, 128>}, {pipeline_mode = #tpu.pipeline_mode<synchronous>, transform_indices = @transform_7, window_bounds = array<i64: 128, 128>}, {pipeline_mode = #tpu.pipeline_mode<synchronous>, transform_indices = @transform_8, window_bounds = array<i64: 1, 128>}, {pipeline_mode = #tpu.pipeline_mode<synchronous>, transform_indices = @transform_9, window_bounds = array<i64: 128, 128>}, {pipeline_mode = #tpu.pipeline_mode<synchronous>, transform_indices = @transform_10, window_bounds = array<i64: 1, 128>}, {pipeline_mode = #tpu.pipeline_mode<synchronous>, transform_indices = @transform_11, window_bounds = array<i64: 1, 384>}, {pipeline_mode = #tpu.pipeline_mode<synchronous>, transform_indices = @transform_12, window_bounds = array<i64: 1, 384>}, {pipeline_mode = #tpu.pipeline_mode<synchronous>, transform_indices = @transform_13, window_bounds = array<i64: 384, 256>}, {pipeline_mode = #tpu.pipeline_mode<synchronous>, transform_indices = @transform_14, window_bounds = array<i64: 1, 256>}, {pipeline_mode = #tpu.pipeline_mode<synchronous>, transform_indices = @transform_15, window_bounds = array<i64: 256, 128>}, {pipeline_mode = #tpu.pipeline_mode<synchronous>, transform_indices = @transform_16, window_bounds = array<i64: 1, 128>}, {pipeline_mode = #tpu.pipeline_mode<synchronous>, transform_indices = @transform_17, window_bounds = array<i64: 1, 128>}, {pipeline_mode = #tpu.pipeline_mode<synchronous>, transform_indices = @transform_18, window_bounds = array<i64: 1, 128>}, {transform_indices = @transform_19, window_bounds = array<i64: 1000, 128>}]} {
    %mul3A = arith.constant 1000 : i32
    %mul3A_0 = arith.muli %arg1, %mul3A : i32
    %eq3A = arith.constant 0 : i32
    %eq3A_1 = arith.cmpi eq, %arg0, %eq3A : i32
    %convert_element_type3A = arith.extui %eq3A_1 : i1 to i32
    %cond3A = arith.constant 0 : i32
    %cond3A_2 = arith.cmpi ne, %convert_element_type3A, %cond3A : i32
    scf.if %cond3A_2 {
      %eq3A_13 = arith.constant 0 : i32
      %eq3A_14 = arith.cmpi eq, %arg1, %eq3A_13 : i32
      %convert_element_type3A_15 = arith.extui %eq3A_14 : i1 to i32
      %cond3A_16 = arith.constant 0 : i32
      %cond3A_17 = arith.cmpi ne, %convert_element_type3A_15, %cond3A_16 : i32
      scf.if %cond3A_17 {
        %broadcast_in_dim3A_88 = arith.constant 0.000000e+00 : f32
        %broadcast_in_dim3A_89 = vector.broadcast %broadcast_in_dim3A_88 : f32 to vector<8x384xf32>
        %swap3A_90 = arith.constant 0 : index
        %swap3A_91 = arith.constant 0 : index
        %swap3A_92 = vector.load %arg24[%swap3A_90, %swap3A_91] : memref<8x384xf32, #tpu.memory_space<vmem>>, vector<8x384xf32>
        tpu.vector_store %arg24[%swap3A_90, %swap3A_91], %broadcast_in_dim3A_89 {strides = array<i32>} : memref<8x384xf32, #tpu.memory_space<vmem>>, vector<8x384xf32>,
      } else {
      }
      %get3A = arith.constant 0 : index
      %get3A_18 = arith.constant 0 : index
      %get3A_19 = arith.constant 0 : index
      %get3A_20 = vector.load %arg2[%get3A, %get3A_18, %get3A_19] : memref<1x1000x128xf32, #tpu.memory_space<vmem>>, vector<1x1000x128xf32>
      %get3A_21 = vector.shape_cast %get3A_20 : vector<1x1000x128xf32> to vector<1000x128xf32>
      %get3A_22 = arith.constant 0 : index
      %get3A_23 = arith.constant 0 : index
      %get3A_24 = arith.constant 0 : index
      %get3A_25 = vector.load %arg3[%get3A_22, %get3A_23, %get3A_24] : memref<1x1000x128xf32, #tpu.memory_space<vmem>>, vector<1x1000x128xf32>
      %get3A_26 = vector.shape_cast %get3A_25 : vector<1x1000x128xf32> to vector<1000x128xf32>
      %add3A = arith.addf %get3A_21, %get3A_26 : vector<1000x128xf32>
      %get3A_27 = arith.constant 0 : index
      %get3A_28 = arith.constant 0 : index
      %get3A_29 = vector.load %arg4[%get3A_27, %get3A_28] : memref<1000x1xf32, #tpu.memory_space<vmem>>, vector<1000x1xf32>
      %mul3A_30 = vector.broadcast %get3A_29 : vector<1000x1xf32> to vector<1000x128xf32>
      %mul3A_31 = arith.mulf %add3A, %mul3A_30 : vector<1000x128xf32>
      %get3A_32 = arith.constant 0 : index
      %get3A_33 = arith.constant 0 : index
      %get3A_34 = vector.load %arg5[%get3A_32, %get3A_33] : memref<1000x128xf32, #tpu.memory_space<vmem>>, vector<1000x128xf32>
      %get3A_35 = arith.constant 0 : index
      %get3A_36 = arith.constant 0 : index
      %get3A_37 = vector.load %arg7[%get3A_35, %get3A_36] : memref<128x128xf32, #tpu.memory_space<vmem>>, vector<128x128xf32>
      %dot_general3A = arith.constant dense<0.000000e+00> : vector<1000x128xf32>
      %dot_general3A_38 = tpu.matmul %get3A_34, %get3A_37, %dot_general3A {dimension_numbers = #tpu.dot_dimension_numbers<[1], [0], [0], [1], [0, 0, 1, 1], [], []>, transpose_lhs_hint = false} : vector<1000x128xf32>, vector<128x128xf32>, vector<1000x128xf32> -> vector<1000x128xf32>
      %get3A_39 = arith.constant 0 : index
      %get3A_40 = arith.constant 0 : index
      %get3A_41 = vector.load %arg8[%get3A_39, %get3A_40] : memref<1x128xf32, #tpu.memory_space<vmem>>, vector<1x128xf32>
      %add3A_42 = vector.broadcast %get3A_41 : vector<1x128xf32> to vector<1000x128xf32>
      %add3A_43 = arith.addf %dot_general3A_38, %add3A_42 : vector<1000x128xf32>
      %get3A_44 = arith.constant 0 : index
      %get3A_45 = arith.constant 0 : index
      %get3A_46 = vector.load %arg6[%get3A_44, %get3A_45] : memref<1000x128xf32, #tpu.memory_space<vmem>>, vector<1000x128xf32>
      %get3A_47 = arith.constant 0 : index
      %get3A_48 = arith.constant 0 : index
      %get3A_49 = vector.load %arg9[%get3A_47, %get3A_48] : memref<128x128xf32, #tpu.memory_space<vmem>>, vector<128x128xf32>
      %dot_general3A_50 = arith.constant dense<0.000000e+00> : vector<1000x128xf32>
      %dot_general3A_51 = tpu.matmul %get3A_46, %get3A_49, %dot_general3A_50 {dimension_numbers = #tpu.dot_dimension_numbers<[1], [0], [0], [1], [0, 0, 1, 1], [], []>, transpose_lhs_hint = false} : vector<1000x128xf32>, vector<128x128xf32>, vector<1000x128xf32> -> vector<1000x128xf32>
      %get3A_52 = arith.constant 0 : index
      %get3A_53 = arith.constant 0 : index
      %get3A_54 = vector.load %arg10[%get3A_52, %get3A_53] : memref<1x128xf32, #tpu.memory_space<vmem>>, vector<1x128xf32>
      %add3A_55 = vector.broadcast %get3A_54 : vector<1x128xf32> to vector<1000x128xf32>
      %add3A_56 = arith.addf %dot_general3A_51, %add3A_55 : vector<1000x128xf32>
      %get3A_57 = arith.constant 0 : index
      %get3A_58 = arith.constant 0 : index
      %get3A_59 = vector.load %arg11[%get3A_57, %get3A_58] : memref<128x128xf32, #tpu.memory_space<vmem>>, vector<128x128xf32>
      %dot_general3A_60 = arith.constant dense<0.000000e+00> : vector<1000x128xf32>
      %dot_general3A_61 = tpu.matmul %mul3A_31, %get3A_59, %dot_general3A_60 {dimension_numbers = #tpu.dot_dimension_numbers<[1], [0], [0], [1], [0, 0, 1, 1], [], []>, transpose_lhs_hint = false} : vector<1000x128xf32>, vector<128x128xf32>, vector<1000x128xf32> -> vector<1000x128xf32>
      %get3A_62 = arith.constant 0 : index
      %get3A_63 = arith.constant 0 : index
      %get3A_64 = vector.load %arg12[%get3A_62, %get3A_63] : memref<1x128xf32, #tpu.memory_space<vmem>>, vector<1x128xf32>
      %add3A_65 = vector.broadcast %get3A_64 : vector<1x128xf32> to vector<1000x128xf32>
      %add3A_66 = arith.addf %dot_general3A_61, %add3A_65 : vector<1000x128xf32>
      %concatenate3A = tpu.concatenate %add3A_43, %add3A_56, %add3A_66 in 1 : vector<1000x128xf32>, vector<1000x128xf32>, vector<1000x128xf32> -> vector<1000x384xf32>
      %swap3A = arith.index_cast %mul3A_0 : i32 to index
      %swap3A_67 = arith.constant 0 : index
      %swap3A_68 = vector.load %arg22[%swap3A, %swap3A_67] : memref<10000x384xf32, #tpu.memory_space<vmem>>, vector<1000x384xf32>
      tpu.vector_store %arg22[%swap3A, %swap3A_67], %concatenate3A {strides = array<i32>} : memref<10000x384xf32, #tpu.memory_space<vmem>>, vector<1000x384xf32>,
      %get3A_69 = arith.constant 0 : index
      %get3A_70 = arith.constant 0 : index
      %get3A_71 = vector.load %arg24[%get3A_69, %get3A_70] : memref<8x384xf32, #tpu.memory_space<vmem>>, vector<1x384xf32>
      %reduce_sum3A = arith.constant dense<0.000000e+00> : vector<384xf32>
      %reduce_sum3A_72 = vector.multi_reduction <add>, %concatenate3A, %reduce_sum3A [0] : vector<1000x384xf32> to vector<384xf32>
      %broadcast_in_dim3A = vector.shape_cast %reduce_sum3A_72 : vector<384xf32> to vector<1x384xf32>
      %add3A_73 = arith.addf %get3A_71, %broadcast_in_dim3A : vector<1x384xf32>
      %swap3A_74 = arith.constant 0 : index
      %swap3A_75 = arith.constant 0 : index
      %swap3A_76 = vector.load %arg24[%swap3A_74, %swap3A_75] : memref<8x384xf32, #tpu.memory_space<vmem>>, vector<1x384xf32>
      tpu.vector_store %arg24[%swap3A_74, %swap3A_75], %add3A_73 {strides = array<i32>} : memref<8x384xf32, #tpu.memory_space<vmem>>, vector<1x384xf32>,
      %get3A_77 = arith.constant 1 : index
      %get3A_78 = arith.constant 0 : index
      %get3A_79 = vector.load %arg24[%get3A_77, %get3A_78] : memref<8x384xf32, #tpu.memory_space<vmem>>, vector<1x384xf32>
      %mul3A_80 = arith.mulf %concatenate3A, %concatenate3A : vector<1000x384xf32>
      %reduce_sum3A_81 = arith.constant dense<0.000000e+00> : vector<384xf32>
      %reduce_sum3A_82 = vector.multi_reduction <add>, %mul3A_80, %reduce_sum3A_81 [0] : vector<1000x384xf32> to vector<384xf32>
      %broadcast_in_dim3A_83 = vector.shape_cast %reduce_sum3A_82 : vector<384xf32> to vector<1x384xf32>
      %add3A_84 = arith.addf %get3A_79, %broadcast_in_dim3A_83 : vector<1x384xf32>
      %swap3A_85 = arith.constant 1 : index
      %swap3A_86 = arith.constant 0 : index
      %swap3A_87 = vector.load %arg24[%swap3A_85, %swap3A_86] : memref<8x384xf32, #tpu.memory_space<vmem>>, vector<1x384xf32>
      tpu.vector_store %arg24[%swap3A_85, %swap3A_86], %add3A_84 {strides = array<i32>} : memref<8x384xf32, #tpu.memory_space<vmem>>, vector<1x384xf32>,
    } else {
    }
    %eq3A_3 = arith.constant 1 : i32
    %eq3A_4 = arith.cmpi eq, %arg0, %eq3A_3 : i32
    %convert_element_type3A_5 = arith.extui %eq3A_4 : i1 to i32
    %cond3A_6 = arith.constant 0 : i32
    %cond3A_7 = arith.cmpi ne, %convert_element_type3A_5, %cond3A_6 : i32
    scf.if %cond3A_7 {
      %eq3A_13 = arith.constant 0 : i32
      %eq3A_14 = arith.cmpi eq, %arg1, %eq3A_13 : i32
      %convert_element_type3A_15 = arith.extui %eq3A_14 : i1 to i32
      %cond3A_16 = arith.constant 0 : i32
      %cond3A_17 = arith.cmpi ne, %convert_element_type3A_15, %cond3A_16 : i32
      scf.if %cond3A_17 {
        %broadcast_in_dim3A_91 = arith.constant 0.000000e+00 : f32
        %broadcast_in_dim3A_92 = vector.broadcast %broadcast_in_dim3A_91 : f32 to vector<8x128xf32>
        %swap3A_93 = arith.constant 0 : index
        %swap3A_94 = arith.constant 0 : index
        %swap3A_95 = vector.load %arg25[%swap3A_93, %swap3A_94] : memref<8x128xf32, #tpu.memory_space<vmem>>, vector<8x128xf32>
        tpu.vector_store %arg25[%swap3A_93, %swap3A_94], %broadcast_in_dim3A_92 {strides = array<i32>} : memref<8x128xf32, #tpu.memory_space<vmem>>, vector<8x128xf32>,
      } else {
      }
      %get3A = arith.constant 0 : index
      %get3A_18 = arith.constant 0 : index
      %get3A_19 = vector.load %arg24[%get3A, %get3A_18] : memref<8x384xf32, #tpu.memory_space<vmem>>, vector<1x384xf32>
      %div3A = arith.constant 1.000000e+04 : f32
      %div3A_20 = vector.broadcast %div3A : f32 to vector<1x384xf32>
      %div3A_21 = arith.divf %get3A_19, %div3A_20 : vector<1x384xf32>
      %get3A_22 = arith.constant 1 : index
      %get3A_23 = arith.constant 0 : index
      %get3A_24 = vector.load %arg24[%get3A_22, %get3A_23] : memref<8x384xf32, #tpu.memory_space<vmem>>, vector<1x384xf32>
      %div3A_25 = arith.constant 1.000000e+04 : f32
      %div3A_26 = vector.broadcast %div3A_25 : f32 to vector<1x384xf32>
      %div3A_27 = arith.divf %get3A_24, %div3A_26 : vector<1x384xf32>
      %mul3A_28 = arith.mulf %div3A_21, %div3A_21 : vector<1x384xf32>
      %sub3A = arith.subf %div3A_27, %mul3A_28 : vector<1x384xf32>
      %add3A = arith.constant 9.99999974E-6 : f32
      %add3A_29 = vector.broadcast %add3A : f32 to vector<1x384xf32>
      %add3A_30 = arith.addf %sub3A, %add3A_29 : vector<1x384xf32>
      %rsqrt3A = math.rsqrt %add3A_30 : vector<1x384xf32>
      %get3A_31 = arith.index_cast %mul3A_0 : i32 to index
      %get3A_32 = arith.constant 0 : index
      %get3A_33 = vector.load %arg22[%get3A_31, %get3A_32] : memref<10000x384xf32, #tpu.memory_space<vmem>>, vector<1000x384xf32>
      %sub3A_34 = vector.broadcast %div3A_21 : vector<1x384xf32> to vector<1000x384xf32>
      %sub3A_35 = arith.subf %get3A_33, %sub3A_34 : vector<1000x384xf32>
      %mul3A_36 = vector.broadcast %rsqrt3A : vector<1x384xf32> to vector<1000x384xf32>
      %mul3A_37 = arith.mulf %sub3A_35, %mul3A_36 : vector<1000x384xf32>
      %get3A_38 = arith.constant 0 : index
      %get3A_39 = arith.constant 0 : index
      %get3A_40 = vector.load %arg13[%get3A_38, %get3A_39] : memref<1x384xf32, #tpu.memory_space<vmem>>, vector<1x384xf32>
      %mul3A_41 = vector.broadcast %get3A_40 : vector<1x384xf32> to vector<1000x384xf32>
      %mul3A_42 = arith.mulf %mul3A_37, %mul3A_41 : vector<1000x384xf32>
      %get3A_43 = arith.constant 0 : index
      %get3A_44 = arith.constant 0 : index
      %get3A_45 = vector.load %arg14[%get3A_43, %get3A_44] : memref<1x384xf32, #tpu.memory_space<vmem>>, vector<1x384xf32>
      %add3A_46 = vector.broadcast %get3A_45 : vector<1x384xf32> to vector<1000x384xf32>
      %add3A_47 = arith.addf %mul3A_42, %add3A_46 : vector<1000x384xf32>
      %get3A_48 = arith.constant 0 : index
      %get3A_49 = arith.constant 0 : index
      %get3A_50 = vector.load %arg15[%get3A_48, %get3A_49] : memref<384x256xf32, #tpu.memory_space<vmem>>, vector<384x256xf32>
      %dot_general3A = arith.constant dense<0.000000e+00> : vector<1000x256xf32>
      %dot_general3A_51 = tpu.matmul %add3A_47, %get3A_50, %dot_general3A {dimension_numbers = #tpu.dot_dimension_numbers<[1], [0], [0], [1], [0, 0, 1, 1], [], []>, transpose_lhs_hint = false} : vector<1000x384xf32>, vector<384x256xf32>, vector<1000x256xf32> -> vector<1000x256xf32>
      %get3A_52 = arith.constant 0 : index
      %get3A_53 = arith.constant 0 : index
      %get3A_54 = vector.load %arg16[%get3A_52, %get3A_53] : memref<1x256xf32, #tpu.memory_space<vmem>>, vector<1x256xf32>
      %add3A_55 = vector.broadcast %get3A_54 : vector<1x256xf32> to vector<1000x256xf32>
      %add3A_56 = arith.addf %dot_general3A_51, %add3A_55 : vector<1000x256xf32>
      %max3A = arith.constant 0.000000e+00 : f32
      %max3A_57 = vector.broadcast %max3A : f32 to vector<1000x256xf32>
      %max3A_58 = arith.maximumf %add3A_56, %max3A_57 : vector<1000x256xf32>
      %get3A_59 = arith.constant 0 : index
      %get3A_60 = arith.constant 0 : index
      %get3A_61 = vector.load %arg17[%get3A_59, %get3A_60] : memref<256x128xf32, #tpu.memory_space<vmem>>, vector<256x128xf32>
      %dot_general3A_62 = arith.constant dense<0.000000e+00> : vector<1000x128xf32>
      %dot_general3A_63 = tpu.matmul %max3A_58, %get3A_61, %dot_general3A_62 {dimension_numbers = #tpu.dot_dimension_numbers<[1], [0], [0], [1], [0, 0, 1, 1], [], []>, transpose_lhs_hint = false} : vector<1000x256xf32>, vector<256x128xf32>, vector<1000x128xf32> -> vector<1000x128xf32>
      %get3A_64 = arith.constant 0 : index
      %get3A_65 = arith.constant 0 : index
      %get3A_66 = vector.load %arg18[%get3A_64, %get3A_65] : memref<1x128xf32, #tpu.memory_space<vmem>>, vector<1x128xf32>
      %add3A_67 = vector.broadcast %get3A_66 : vector<1x128xf32> to vector<1000x128xf32>
      %add3A_68 = arith.addf %dot_general3A_63, %add3A_67 : vector<1000x128xf32>
      %slice3A = vector.extract_strided_slice %add3A_47 {offsets = [0, 0], sizes = [1000, 128], strides = [1, 1]} : vector<1000x384xf32> to vector<1000x128xf32>
      %add3A_69 = arith.addf %slice3A, %add3A_68 : vector<1000x128xf32>
      %swap3A = arith.index_cast %mul3A_0 : i32 to index
      %swap3A_70 = arith.constant 0 : index
      %swap3A_71 = vector.load %arg23[%swap3A, %swap3A_70] : memref<10000x128xf32, #tpu.memory_space<vmem>>, vector<1000x128xf32>
      tpu.vector_store %arg23[%swap3A, %swap3A_70], %add3A_69 {strides = array<i32>} : memref<10000x128xf32, #tpu.memory_space<vmem>>, vector<1000x128xf32>,
      %get3A_72 = arith.constant 0 : index
      %get3A_73 = arith.constant 0 : index
      %get3A_74 = vector.load %arg25[%get3A_72, %get3A_73] : memref<8x128xf32, #tpu.memory_space<vmem>>, vector<1x128xf32>
      %reduce_sum3A = arith.constant dense<0.000000e+00> : vector<128xf32>
      %reduce_sum3A_75 = vector.multi_reduction <add>, %add3A_69, %reduce_sum3A [0] : vector<1000x128xf32> to vector<128xf32>
      %broadcast_in_dim3A = vector.shape_cast %reduce_sum3A_75 : vector<128xf32> to vector<1x128xf32>
      %add3A_76 = arith.addf %get3A_74, %broadcast_in_dim3A : vector<1x128xf32>
      %swap3A_77 = arith.constant 0 : index
      %swap3A_78 = arith.constant 0 : index
      %swap3A_79 = vector.load %arg25[%swap3A_77, %swap3A_78] : memref<8x128xf32, #tpu.memory_space<vmem>>, vector<1x128xf32>
      tpu.vector_store %arg25[%swap3A_77, %swap3A_78], %add3A_76 {strides = array<i32>} : memref<8x128xf32, #tpu.memory_space<vmem>>, vector<1x128xf32>,
      %get3A_80 = arith.constant 1 : index
      %get3A_81 = arith.constant 0 : index
      %get3A_82 = vector.load %arg25[%get3A_80, %get3A_81] : memref<8x128xf32, #tpu.memory_space<vmem>>, vector<1x128xf32>
      %mul3A_83 = arith.mulf %add3A_69, %add3A_69 : vector<1000x128xf32>
      %reduce_sum3A_84 = arith.constant dense<0.000000e+00> : vector<128xf32>
      %reduce_sum3A_85 = vector.multi_reduction <add>, %mul3A_83, %reduce_sum3A_84 [0] : vector<1000x128xf32> to vector<128xf32>
      %broadcast_in_dim3A_86 = vector.shape_cast %reduce_sum3A_85 : vector<128xf32> to vector<1x128xf32>
      %add3A_87 = arith.addf %get3A_82, %broadcast_in_dim3A_86 : vector<1x128xf32>
      %swap3A_88 = arith.constant 1 : index
      %swap3A_89 = arith.constant 0 : index
      %swap3A_90 = vector.load %arg25[%swap3A_88, %swap3A_89] : memref<8x128xf32, #tpu.memory_space<vmem>>, vector<1x128xf32>
      tpu.vector_store %arg25[%swap3A_88, %swap3A_89], %add3A_87 {strides = array<i32>} : memref<8x128xf32, #tpu.memory_space<vmem>>, vector<1x128xf32>,
    } else {
    }
    %eq3A_8 = arith.constant 2 : i32
    %eq3A_9 = arith.cmpi eq, %arg0, %eq3A_8 : i32
    %convert_element_type3A_10 = arith.extui %eq3A_9 : i1 to i32
    %cond3A_11 = arith.constant 0 : i32
    %cond3A_12 = arith.cmpi ne, %convert_element_type3A_10, %cond3A_11 : i32
    scf.if %cond3A_12 {
      %get3A = arith.constant 0 : index
      %get3A_13 = arith.constant 0 : index
      %get3A_14 = vector.load %arg25[%get3A, %get3A_13] : memref<8x128xf32, #tpu.memory_space<vmem>>, vector<1x128xf32>
      %div3A = arith.constant 1.000000e+04 : f32
      %div3A_15 = vector.broadcast %div3A : f32 to vector<1x128xf32>
      %div3A_16 = arith.divf %get3A_14, %div3A_15 : vector<1x128xf32>
      %get3A_17 = arith.constant 1 : index
      %get3A_18 = arith.constant 0 : index
      %get3A_19 = vector.load %arg25[%get3A_17, %get3A_18] : memref<8x128xf32, #tpu.memory_space<vmem>>, vector<1x128xf32>
      %div3A_20 = arith.constant 1.000000e+04 : f32
      %div3A_21 = vector.broadcast %div3A_20 : f32 to vector<1x128xf32>
      %div3A_22 = arith.divf %get3A_19, %div3A_21 : vector<1x128xf32>
      %mul3A_23 = arith.mulf %div3A_16, %div3A_16 : vector<1x128xf32>
      %sub3A = arith.subf %div3A_22, %mul3A_23 : vector<1x128xf32>
      %add3A = arith.constant 9.99999974E-6 : f32
      %add3A_24 = vector.broadcast %add3A : f32 to vector<1x128xf32>
      %add3A_25 = arith.addf %sub3A, %add3A_24 : vector<1x128xf32>
      %rsqrt3A = math.rsqrt %add3A_25 : vector<1x128xf32>
      %get3A_26 = arith.index_cast %mul3A_0 : i32 to index
      %get3A_27 = arith.constant 0 : index
      %get3A_28 = vector.load %arg23[%get3A_26, %get3A_27] : memref<10000x128xf32, #tpu.memory_space<vmem>>, vector<1000x128xf32>
      %sub3A_29 = vector.broadcast %div3A_16 : vector<1x128xf32> to vector<1000x128xf32>
      %sub3A_30 = arith.subf %get3A_28, %sub3A_29 : vector<1000x128xf32>
      %mul3A_31 = vector.broadcast %rsqrt3A : vector<1x128xf32> to vector<1000x128xf32>
      %mul3A_32 = arith.mulf %sub3A_30, %mul3A_31 : vector<1000x128xf32>
      %get3A_33 = arith.constant 0 : index
      %get3A_34 = arith.constant 0 : index
      %get3A_35 = vector.load %arg19[%get3A_33, %get3A_34] : memref<1x128xf32, #tpu.memory_space<vmem>>, vector<1x128xf32>
      %mul3A_36 = vector.broadcast %get3A_35 : vector<1x128xf32> to vector<1000x128xf32>
      %mul3A_37 = arith.mulf %mul3A_32, %mul3A_36 : vector<1000x128xf32>
      %get3A_38 = arith.constant 0 : index
      %get3A_39 = arith.constant 0 : index
      %get3A_40 = vector.load %arg20[%get3A_38, %get3A_39] : memref<1x128xf32, #tpu.memory_space<vmem>>, vector<1x128xf32>
      %add3A_41 = vector.broadcast %get3A_40 : vector<1x128xf32> to vector<1000x128xf32>
      %add3A_42 = arith.addf %mul3A_37, %add3A_41 : vector<1000x128xf32>
      %swap3A = arith.constant 0 : index
      %swap3A_43 = arith.constant 0 : index
      %swap3A_44 = vector.load %arg21[%swap3A, %swap3A_43] : memref<1000x128xf32, #tpu.memory_space<vmem>>, vector<1000x128xf32>
      tpu.vector_store %arg21[%swap3A, %swap3A_43], %add3A_42 {strides = array<i32>} : memref<1000x128xf32, #tpu.memory_space<vmem>>, vector<1000x128xf32>,
    } else {
    }
    return
  }
  func.func @transform_0(%arg0: i32, %arg1: i32) -> (i32, i32, i32) {
    %eq3A = arith.constant 0 : i32
    %eq3A_0 = arith.cmpi eq, %arg0, %eq3A : i32
    %jit3A = arith.constant 0 : i32
    %select_n3A = arith.select %eq3A_0, %arg1, %jit3A : i32
    %c0_i32 = arith.constant 0 : i32
    %c0_i32_1 = arith.constant 0 : i32
    %c0_i32_2 = arith.constant 0 : i32
    return %c0_i32, %select_n3A, %c0_i32_1 : i32, i32, i32
  }
  func.func @transform_1(%arg0: i32, %arg1: i32) -> (i32, i32, i32) {
    %eq3A = arith.constant 0 : i32
    %eq3A_0 = arith.cmpi eq, %arg0, %eq3A : i32
    %jit3A = arith.constant 0 : i32
    %select_n3A = arith.select %eq3A_0, %arg1, %jit3A : i32
    %c1_i32 = arith.constant 1 : i32
    %c0_i32 = arith.constant 0 : i32
    %c0_i32_1 = arith.constant 0 : i32
    return %c1_i32, %select_n3A, %c0_i32 : i32, i32, i32
  }
  func.func @transform_2(%arg0: i32, %arg1: i32) -> (i32, i32) {
    %eq3A = arith.constant 0 : i32
    %eq3A_0 = arith.cmpi eq, %arg0, %eq3A : i32
    %jit3A = arith.constant 0 : i32
    %select_n3A = arith.select %eq3A_0, %arg1, %jit3A : i32
    %c0_i32 = arith.constant 0 : i32
    %c0_i32_1 = arith.constant 0 : i32
    return %select_n3A, %c0_i32 : i32, i32
  }
  func.func @transform_3(%arg0: i32, %arg1: i32) -> (i32, i32) {
    %eq3A = arith.constant 0 : i32
    %eq3A_0 = arith.cmpi eq, %arg0, %eq3A : i32
    %jit3A = arith.constant 0 : i32
    %select_n3A = arith.select %eq3A_0, %arg1, %jit3A : i32
    %c0_i32 = arith.constant 0 : i32
    %c0_i32_1 = arith.constant 0 : i32
    return %select_n3A, %c0_i32 : i32, i32
  }
  func.func @transform_4(%arg0: i32, %arg1: i32) -> (i32, i32) {
    %eq3A = arith.constant 0 : i32
    %eq3A_0 = arith.cmpi eq, %arg0, %eq3A : i32
    %jit3A = arith.constant 0 : i32
    %select_n3A = arith.select %eq3A_0, %arg1, %jit3A : i32
    %c0_i32 = arith.constant 0 : i32
    %c0_i32_1 = arith.constant 0 : i32
    return %select_n3A, %c0_i32 : i32, i32
  }
  func.func @transform_5(%arg0: i32, %arg1: i32) -> (i32, i32) {
    %c0_i32 = arith.constant 0 : i32
    %c0_i32_0 = arith.constant 0 : i32
    %c0_i32_1 = arith.constant 0 : i32
    return %c0_i32, %c0_i32_0 : i32, i32
  }
  func.func @transform_6(%arg0: i32, %arg1: i32) -> (i32, i32) {
    %c0_i32 = arith.constant 0 : i32
    %c0_i32_0 = arith.constant 0 : i32
    %c0_i32_1 = arith.constant 0 : i32
    return %c0_i32, %c0_i32_0 : i32, i32
  }
  func.func @transform_7(%arg0: i32, %arg1: i32) -> (i32, i32) {
    %c0_i32 = arith.constant 0 : i32
    %c0_i32_0 = arith.constant 0 : i32
    %c0_i32_1 = arith.constant 0 : i32
    return %c0_i32, %c0_i32_0 : i32, i32
  }
  func.func @transform_8(%arg0: i32, %arg1: i32) -> (i32, i32) {
    %c0_i32 = arith.constant 0 : i32
    %c0_i32_0 = arith.constant 0 : i32
    %c0_i32_1 = arith.constant 0 : i32
    return %c0_i32, %c0_i32_0 : i32, i32
  }
  func.func @transform_9(%arg0: i32, %arg1: i32) -> (i32, i32) {
    %c0_i32 = arith.constant 0 : i32
    %c0_i32_0 = arith.constant 0 : i32
    %c0_i32_1 = arith.constant 0 : i32
    return %c0_i32, %c0_i32_0 : i32, i32
  }
  func.func @transform_10(%arg0: i32, %arg1: i32) -> (i32, i32) {
    %c0_i32 = arith.constant 0 : i32
    %c0_i32_0 = arith.constant 0 : i32
    %c0_i32_1 = arith.constant 0 : i32
    return %c0_i32, %c0_i32_0 : i32, i32
  }
  func.func @transform_11(%arg0: i32, %arg1: i32) -> (i32, i32) {
    %c0_i32 = arith.constant 0 : i32
    %c0_i32_0 = arith.constant 0 : i32
    %c0_i32_1 = arith.constant 0 : i32
    return %c0_i32, %c0_i32_0 : i32, i32
  }
  func.func @transform_12(%arg0: i32, %arg1: i32) -> (i32, i32) {
    %c0_i32 = arith.constant 0 : i32
    %c0_i32_0 = arith.constant 0 : i32
    %c0_i32_1 = arith.constant 0 : i32
    return %c0_i32, %c0_i32_0 : i32, i32
  }
  func.func @transform_13(%arg0: i32, %arg1: i32) -> (i32, i32) {
    %c0_i32 = arith.constant 0 : i32
    %c0_i32_0 = arith.constant 0 : i32
    %c0_i32_1 = arith.constant 0 : i32
    return %c0_i32, %c0_i32_0 : i32, i32
  }
  func.func @transform_14(%arg0: i32, %arg1: i32) -> (i32, i32) {
    %c0_i32 = arith.constant 0 : i32
    %c0_i32_0 = arith.constant 0 : i32
    %c0_i32_1 = arith.constant 0 : i32
    return %c0_i32, %c0_i32_0 : i32, i32
  }
  func.func @transform_15(%arg0: i32, %arg1: i32) -> (i32, i32) {
    %c0_i32 = arith.constant 0 : i32
    %c0_i32_0 = arith.constant 0 : i32
    %c0_i32_1 = arith.constant 0 : i32
    return %c0_i32, %c0_i32_0 : i32, i32
  }
  func.func @transform_16(%arg0: i32, %arg1: i32) -> (i32, i32) {
    %c0_i32 = arith.constant 0 : i32
    %c0_i32_0 = arith.constant 0 : i32
    %c0_i32_1 = arith.constant 0 : i32
    return %c0_i32, %c0_i32_0 : i32, i32
  }
  func.func @transform_17(%arg0: i32, %arg1: i32) -> (i32, i32) {
    %c0_i32 = arith.constant 0 : i32
    %c0_i32_0 = arith.constant 0 : i32
    %c0_i32_1 = arith.constant 0 : i32
    return %c0_i32, %c0_i32_0 : i32, i32
  }
  func.func @transform_18(%arg0: i32, %arg1: i32) -> (i32, i32) {
    %c0_i32 = arith.constant 0 : i32
    %c0_i32_0 = arith.constant 0 : i32
    %c0_i32_1 = arith.constant 0 : i32
    return %c0_i32, %c0_i32_0 : i32, i32
  }
  func.func @transform_19(%arg0: i32, %arg1: i32) -> (i32, i32) {
    %eq3A = arith.constant 2 : i32
    %eq3A_0 = arith.cmpi eq, %arg0, %eq3A : i32
    %jit3A = arith.constant 0 : i32
    %select_n3A = arith.select %eq3A_0, %arg1, %jit3A : i32
    %c0_i32 = arith.constant 0 : i32
    %c0_i32_1 = arith.constant 0 : i32
    return %select_n3A, %c0_i32 : i32, i32
  }
}

</mosaic_0001>

<sc_bundles>
// kernel: kernel.11.cloned.1.call-start
scs
__scs_entry_jumppad:
0x0: {  	(pc) =	sbr.rel $0x88, $3  }
0x1: {  	(tag) =	ssettag $0x0;
	lr =	simm.s32 $0x1  }
0x2: {  	[smem:$0x3F91] =	sst lr;
	_ =	strace $0xD0000000  }
0x3: {  	_ = 	snop  }
0x4: {  	_ = 	snop  }
0x5: {  	_ = 	snop  }
0x6: {  	_ = 	snop  }
0x7: {  	_ = 	snop  }
__scs_overlays_trampoline_lowered:
0x8: {  	[smem:$0x3FA0] =	sst s0  }
0x9: {  	[smem:$0x3FA1] =	sst s1  }
0xa: {  	[smem:$0x3FA2] =	sst s2  }
0xb: {  	[smem:$0x3FA3] =	sst s3  }
0xc: {  	[smem:$0x3FA4] =	sst s4  }
0xd: {  	[smem:$0x3FA5] =	sst s5  }
0xe: {  	[smem:$0x3FA6] =	sst s6  }
0xf: {  	[smem:$0x3FA7] =	sst s7  }
0x10: {  	[smem:$0x3FA8] =	sst s8  }
0x11: {  	[smem:$0x3FA9] =	sst s9;
	s0 =	simm.s32 @!p0 $0x0  }
0x12: {  	s1 =	sld [smem:$0x3F8F];
	s0 =	simm.s32 @p0 $0x1  }
0x13: {  	[smem:$0x3FAA] =	sst s0;
	s0 =	simm.s32 @!p1 $0x0  }
0x14: {  	s2 =	sld [smem:$0x3F8E];
	s0 =	simm.s32 @p1 $0x1  }
0x15: {  	[smem:$0x3FAB] =	sst s0;
	s0 =	simm.s32 @!p2 $0x0  }
0x16: {  	s3 =	sld [smem:$0x3FDB];
	s0 =	simm.s32 @p2 $0x1  }
0x17: {  	s4 =	simm.s32 $0x1BF5;
	[smem:$0x3FAD] =	sst s0  }
0x18: {  	s0 =	sld [smem:$0x3F90];
	_ =	swait.ge [sflag:s4], $0x0  }
0x19: {  	s7 =	sld [smem:$0x3F91]  }
0x1a: {  	s8 =	sadd.s32 $0xFFFFE003, lr  }
0x1b: {  	s9 =	sadd.s32 $0xFFFFFEF7, lr;
	s5 =	simm.s32 $0xFFFFFFFF;
	p2 =	slt.u32 s8, $0xFFFFF086  }
0x1c: {  	p1 =	slt.u32 s9, $0xF7A;
	s5 =	simm.s32 @!p2 $0x0  }
0x1d: {  	s5 =	simm.s32 @p1 $0x1;
	p0 =	seq.s32 s7, s2  }
0x1e: {  	s7 =	smul.u32 @!p0 $0xF7A, s2;
	p2 =	seq.s32 @!p0 s5, $0x0  }
0x1f: {  	s9 =	smul.u32 $0xF7A, s1;
	s8 =	simm.s32 @!p0 $0x1BF5;
	p2 =	por !p2, p0  }
0x20: {  	[sflag:s8] =	ssyncset.s32 @!p0 $0xFFFFF086;
	s6 =	sadd.s32 @!p0 s3, s7;
	s7 =	simm.s32 @!p0 $0x108  }
0x21: {  	s3 =	sadd.s32 s3, s9;
	s6 =	sadd.s32 @!p0 $0x88, s6;
	s7 =	simm.s32 @p2 $0x1082  }
0x22: {  	[simem:s7], [sflag:s8] =	dma.local @!p0 [hbm:s6], $0xF7A  }
0x23: {  	s9 =	sor.u32 $0xD0000000, s2;
	s6 =	simm.s32 $0x108;
	_ =	swait.ge @!p0 [sflag:s8], $0x0  }
0x24: {  	s3 =	sadd.s32 $0x88, s3;
	s6 =	simm.s32 @!p1 $0x1082;
	[sflag:s4] =	ssyncset.s32 $0xFFFFF086  }
0x25: {  	[simem:s6], [sflag:s4] =	dma.local [hbm:s3], $0xF7A  }
0x26: {  	[smem:$0x3F91] =	sst s1;
	(tag) =	ssettag s2;
	_ =	strace s9  }
0x27: {  	s1 =	sld [smem:$0x3FA1]  }
0x28: {  	s2 =	sld [smem:$0x3FA2]  }
0x29: {  	s4 =	sld [smem:$0x3FA4]  }
0x2a: {  	p0 =	seq.s32 s5, $0x0;
	s5 =	sld [smem:$0x3FA5]  }
0x2b: {  	s6 =	sld [smem:$0x3FA6]  }
0x2c: {  	s7 =	sld [smem:$0x3FA7]  }
0x2d: {  	s3 =	simm.s32 $0x108;
	s8 =	sld [smem:$0x3FA8]  }
0x2e: {  	s3 =	simm.s32 @!p0 $0x1082;
	s9 =	sld [smem:$0x3FA9]  }
0x2f: {  	lr =	sadd.s32 s0, s3;
	s0 =	sld [smem:$0x3FA0]  }
0x30: {  	s3 =	sld [smem:$0x3FA3]  }
0x31: {  	[smem:$0x3FAC] =	sst s10  }
0x32: {  	s10 =	sld [smem:$0x3FAA];
	_ =	sdelay $0x3  }
0x33: {  	p0 =	seq.s32 s10, $0x1;
	s10 =	sld [smem:$0x3FAC];
	_ =	sdelay $0x3  }
0x34: {  	[smem:$0x3FAC] =	sst s10  }
0x35: {  	s10 =	sld [smem:$0x3FAB];
	_ =	sdelay $0x3  }
0x36: {  	p1 =	seq.s32 s10, $0x1;
	s10 =	sld [smem:$0x3FAC];
	_ =	sdelay $0x3  }
0x37: {  	[smem:$0x3FAC] =	sst s10  }
0x38: {  	s10 =	sld [smem:$0x3FAD]  }
0x39: {  	_ = 	snop;
	(pc) =	sbr.ind lr, $3  }
0x3a: {  	_ = 	snop  }
0x3b: {  	_ = 	snop  }
0x3c: {  	p2 =	seq.s32 s10, $0x1;
	s10 =	sld [smem:$0x3FAC]  }
0x3d: {  	_ =	shalt  }
0x3e: {  	_ =	shalt  }
0x3f: {  	_ =	shalt  }
0x40: {  	_ =	shalt  }
0x41: {  	_ =	shalt  }
0x42: {  	_ =	shalt  }
0x43: {  	_ =	shalt  }
0x44: {  	_ =	shalt  }
0x45: {  	_ =	shalt  }
0x46: {  	_ =	shalt  }
0x47: {  	_ =	shalt  }
0x48: {  	_ =	shalt  }
0x49: {  	_ =	shalt  }
0x4a: {  	_ =	shalt  }
0x4b: {  	_ =	shalt  }
0x4c: {  	_ =	shalt  }
0x4d: {  	_ =	shalt  }
0x4e: {  	_ =	shalt  }
0x4f: {  	_ =	shalt  }
0x50: {  	_ =	shalt  }
0x51: {  	_ =	shalt  }
0x52: {  	_ =	shalt  }
0x53: {  	_ =	shalt  }
0x54: {  	_ =	shalt  }
0x55: {  	_ =	shalt  }
0x56: {  	_ =	shalt  }
0x57: {  	_ =	shalt  }
0x58: {  	_ =	shalt  }
0x59: {  	_ =	shalt  }
0x5a: {  	_ =	shalt  }
0x5b: {  	_ =	shalt  }
0x5c: {  	_ =	shalt  }
0x5d: {  	_ =	shalt  }
0x5e: {  	_ =	shalt  }
0x5f: {  	_ =	shalt  }
0x60: {  	_ =	shalt  }
0x61: {  	_ =	shalt  }
0x62: {  	_ =	shalt  }
0x63: {  	_ =	shalt  }
0x64: {  	_ =	shalt  }
0x65: {  	_ =	shalt  }
0x66: {  	_ =	shalt  }
0x67: {  	_ =	shalt  }
0x68: {  	_ =	shalt  }
0x69: {  	_ =	shalt  }
0x6a: {  	_ =	shalt  }
0x6b: {  	_ =	shalt  }
0x6c: {  	_ =	shalt  }
0x6d: {  	_ =	shalt  }
0x6e: {  	_ =	shalt  }
0x6f: {  	_ =	shalt  }
0x70: {  	_ =	shalt  }
0x71: {  	_ =	shalt  }
0x72: {  	_ =	shalt  }
0x73: {  	_ =	shalt  }
0x74: {  	_ =	shalt  }
0x75: {  	_ =	shalt  }
0x76: {  	_ =	shalt  }
0x77: {  	_ =	shalt  }
0x78: {  	_ =	shalt  }
0x79: {  	_ =	shalt  }
0x7a: {  	_ =	shalt  }
0x7b: {  	_ =	shalt  }
0x7c: {  	_ =	shalt  }
0x7d: {  	_ =	shalt  }
0x7e: {  	_ =	shalt  }
0x7f: {  	_ =	shalt  }
0x80: {  	_ =	shalt  }
0x81: {  	_ =	shalt  }
0x82: {  	_ =	shalt  }
0x83: {  	_ =	shalt  }
0x84: {  	_ =	shalt  }
0x85: {  	_ =	shalt  }
0x86: {  	_ =	shalt  }
0x87: {  	_ =	shalt  }
.Lfunc_end0:
.L_simem_size_0:
called_computation.1_lowered:
.L_overlay_start_0:
0x88: {  	s2 =	sld [smem:$0x3FD9]  }
0x89: {  	s3 =	sld [smem:$0x3FFE];
	_ =	sdelay $0x1  }
0x8a: {  	s1 =	srdreg.scid  }
0x8b: {  	s0 =	sand.u32 $0x1, s1  }
0x8c: {  	s17 =	sshll.u32 s0, $0xA;
	s2 =	sadd.s32 s3, s2  }
0x8d: {  	s2 =	sadd.s32 s2, s17  }
0x8e: {  	[smem:$0x3FB8] =	sst s2  }
0x8f: {  	_ = 	snop  }
0x90: {  	s2 =	sld [smem:$0x3FD0];
	(tm) =	ssettm $0x1  }
0x91: {  	s18 =	sld [smem:$0x3FFB];
	_ =	sdelay $0x3  }
0x92: {  	_ =	strace s18  }
0x93: {  	s3 =	sld [smem:$0x3FFC];
	_ =	sdelay $0x3  }
0x94: {  	_ =	strace s3  }
0x95: {  	s3 =	sld [smem:$0x3FFD];
	_ =	sdelay $0x3  }
0x96: {  	_ =	strace s3  }
0x97: {  	_ =	strace $0x8FFFFFFF  }
0x98: {  	s19 =	sld [smem:$0x3FDB];
	_ =	sdelay $0x1  }
0x99: {  	s4 =	simm.s32 $_scs_section_size  }
0x9a: {  	s5 =	simm.s32 $_size__tile_overlayer_lowered;
	s6 =	simm.s32 $_tile_overlayer_lowered  }
0x9b: {  	s22 =	simm.s32 $0x1BFF;
	s21 =	sshll.u32 s6, $0x1;
	s3 =	sadd.s32 s4, s19  }
0x9c: {  	s7 =	simm.s32 $0x0;
	s20 =	sshll.u32 s5, $0x1;
	s5 =	sadd.s32 s21, s3  }
0x9d: {  	[timem:s7], [sflag:s22] =	dma.local [hbm:s5], s20  }
0x9e: {  	_ =	swait.ge [sflag:s22], s20  }
0x9f: {  	s4 =	ssub.s32 $0x0, s20;
	[sflag:s22] =	ssyncset.done $0x0  }
0xa0: {  	[sflag:s22] =	ssyncadd.s32 s4;
	_ =	sdelay $0x1  }
0xa1: {  	s23 =	simm.s32 $0x1B8B  }
0xa2: {  	_ =	swait.ge [sflag:s23], $0x1  }
0xa3: {  	[sflag:s23] =	ssyncset.done $0x0  }
0xa4: {  	s25 =	simm.s32 $0x1B8E;
	s24 =	sld [smem:$0x3FFE];
	[sflag:s23] =	ssyncadd.s32 $0xFFFFFFFF  }
0xa5: {  	s26 =	simm.s32 $execute0_lowered;
	[smem:$0x3FD2] =	sst s25  }
0xa6: {  	s5 =	sshll.u32 s26, $0x1;
	_ =	strace $0x80000049;
	[dreg:$0x1] =	wrdreg $0xFFFFFFFF  }
0xa7: {  	s28 =	simm.s32 $_size_execute0_lowered;
	s3 =	sadd.s32 s3, s5;
	[dreg:$0x0] =	wrdreg $0x0  }
0xa8: {  	s5 =	sshll.u32 s28, $0x1;
	[dreg:$0x2] =	wrdreg s3  }
0xa9: {  	[dreg:$0x3] =	wrdreg s5  }
0xaa: {  	[dreg:$0x4] =	wrdreg $0xC0  }
0xab: {  	_ =	task [dreg:s7], $0x5FFFF  }
0xac: {  	[dreg:$0x1] =	wrdreg $0xFFFFFFFF  }
0xad: {  	[dreg:$0x0] =	wrdreg $0x60  }
0xae: {  	[dreg:$0x2] =	wrdreg s2  }
0xaf: {  	[dreg:$0x3] =	wrdreg s24  }
0xb0: {  	[dreg:$0x4] =	wrdreg $0xA9000  }
0xb1: {  	[dreg:$0x5] =	wrdreg $0x9  }
0xb2: {  	_ =	task.clear_ibuf [dreg:s7], $0x6FFFF;
	_ =	strace $0x90000049  }
0xb3: {  	s29 =	simm.s32 $0x9;
	_ =	strace $0x8000004B  }
0xb4: {  	_ =	swait.ge [sflag:s29], $0x1  }
0xb5: {  	[sflag:s29] =	ssyncadd.s32 $0xFFFFFFFF  }
0xb6: {  	_ =	strace $0x9000004B  }
0xb7: {  	_ =	sfence  }
0xb8: {  	s30 =	sld [smem:$0x0];
	_ =	sdelay $0x2  }
0xb9: {  	s31 =	sshll.u32 s1, $0xD;
	s1 =	sshrl.u32 s1, $0x2  }
0xba: {  	s3 =	sand.u32 $0x4000, s31;
	s1 =	sadd.s32 s1, s30  }
0xbb: {  	s0 =	sor.u32 s3, s0;
	s1 =	sshll.u32 s1, $0x11  }
0xbc: {  	s0 =	sor.u32 s1, s0  }
0xbd: {  	s0 =	sadd.s32 $0x8F2B, s0  }
0xbe: {  	[sflag:s0] =	ssyncadd.remote.s32 $0x1  }
0xbf: {  	_ =	sfence.sel $0xFFFF  }
0xc0: {  	[dreg:$0x0] =	wrdreg $0xFFFFFFFF;
	(pc) =	sbr.abs _section_cstart, $3  }
0xc1: {  	[dreg:$0x1] =	wrdreg $0xFFFFFFFF  }
0xc2: {  	_ =	task.clear_ibuf [dreg:s7], $0x2FFFF;
	_ =	strace $0x9FFFFFFF  }
0xc3: {  	(tm) =	ssettm $0x7FFFFFFF  }
tec
execute0_lowered:
.L_overlay_start_1:
0x0: {  	(tag) =	ssettag $0x1  }
0x1: {  	s0 =	rddreg [dreg:$0x0]  }
0x2: {  	s5 =	rddreg [dreg:$0x1];
	s1 =	srdreg.scid  }
0x3: {  	s2 =	rddreg [dreg:$0x2];
	s26 =	stileid.u32;
	s3 =	simm.s32 $0x0  }
0x4: {  	s17 =	simm.s32 $0x2900;
	s18 =	simm.s32 $0x2800;
	s19 =	simm.s32 $0x2880  }
0x5: {  	s20 =	simm.s32 $0x80;
	s21 =	simm.s32 $0x6900;
	s22 =	simm.s32 $0x3  }
0x6: {  	s23 =	simm.s32 $0x1;
	s25 =	simm.s32 $0x4;
	s28 =	simm.s32 $0x2780  }
0x7: {  	s29 =	simm.s32 $0x0;
	s4 =	sand.u32 $0x1, s1;
	s10 =	smul.u32 $0x50000, s26  }
0x8: {  	[smem:$0x7FF] =	sst s3;
	s15 =	sadd.s32 $0xD200, s5;
	s31 =	smul.u32 $0x2800, s26  }
0x9: {  	s6 =	sshll.u32 s4, $0x4;
	s12 =	smul.u32 $0x28000, s4;
	_ =	strace $0x8000004A  }
0xa: {  	s8 =	ssub.s32 $0x2, s4;
	s4 =	sadd.s32 $0x17200, s5;
	s6 =	sor.u32 s26, s6  }
0xb: {  	s9 =	sshrl.u32 s8, $0x1;
	s30 =	sshrl.u32 s10, $0x2;
	s7 =	smul.u32 $0x2800, s6  }
0xc: {  	s26 =	simm.s32 $0x2;
	s6 =	smul.u32 $0x500, s6;
	s11 =	sadd.s32 s12, s5  }
0xd: {  	s9 =	ssub.s32 s8, s9;
	s13 =	sadd.s32 s31, s12;
	s24 =	sadd.s32 $0x3F200, s11  }
0xe: {  	s9 =	smax.u32 s9, $0x1;
	s14 =	sor.u32 $0x180, s13;
	s16 =	sor.u32 $0x100, s13  }
0xf: {  	s5 =	sadd.s32 s0, s6;
	s7 =	sshrl.u32 s7, $0x3;
	s6 =	sadd.s32 s30, s2  }
0x10: {  	s14 =	sshrl.u32 s14, $0x3;
	s16 =	sshrl.u32 s16, $0x3;
	s24 =	sadd.s32 s31, s24  }
0x11: {  	s7 =	sadd.s32 s15, s7;
	s10 =	sadd.s32 $0x4000, s6;
	s11 =	sadd.s32 $0x8000, s6  }
0x12: {  	s12 =	sadd.s32 $0xC000, s6;
	s13 =	sadd.s32 $0x10000, s6;
	s14 =	sadd.s32 s14, s15  }
0x13: {  	v0 =	vimm.f32 $0.0e+00;
	s15 =	sadd.s32 s16, s15;
	s16 =	simm.s32 $0x5;
	s8 =	sadd.s32 $0x10, s7  }
.LBB2_1:
0x14: {  	[tilespmem:s3], [sflag:$0x5] =	stream.linear.gather [hbm4b:s5+s3], $0x2800, $0x38;
	[tilespmem:$0x1E900] =	vst v63  }
0x15: {  	_ =	swait.ge [sflag:s16], $0x2800  }
0x16: {  	[sflag:s16] =	ssyncset.done $0x0  }
0x17: {  	s30 =	simm.s32 $0x0;
	s31 =	simm.s32 $0x200;
	[sflag:s16] =	ssyncadd.s32 $0xFFFFD800  }
.LBB2_2:
0x18: {  	p0 =	sne.s32 s31, $0xFE00;
	[tilespmem:s30+$0x2970] =	vst v0  }
0x19: {  	[tilespmem:s30+$0x2900] =	vst v0  }
0x1a: {  	[tilespmem:s30+$0x2910] =	vst v0  }
.Ltmp0:
0x1b: {  	[tilespmem:s30+$0x2920] =	vst v0;
	(pc) =	sbr.rel @p0 .LBB2_2-.Ltmp0, $4  }
0x1c: {  	[tilespmem:s30+$0x2930] =	vst v0  }
0x1d: {  	[tilespmem:s30+$0x2940] =	vst v0  }
0x1e: {  	[tilespmem:s30+$0x2950] =	vst v0  }
0x1f: {  	[tilespmem:s30+$0x2960] =	vst v0;
	s30 =	sshra.s32 s31, $0x2;
	s31 =	sadd.s32 $0x200, s31  }
0x20: {  	[tilespmem:s30+$0x2970] =	vst v0  }
0x21: {  	[tilespmem:s30+$0x2900] =	vst v0  }
0x22: {  	[tilespmem:s30+$0x2910] =	vst v0  }
0x23: {  	[tilespmem:s30+$0x2920] =	vst v0  }
0x24: {  	[tilespmem:s30+$0x2930] =	vst v0  }
0x25: {  	[tilespmem:s30+$0x2940] =	vst v0  }
0x26: {  	[tilespmem:s30+$0x2950] =	vst v0  }
0x27: {  	[tilespmem:s30+$0x2960] =	vst v0  }
0x28: {  	[spmem:s6] =	stream.linear.scatter [tilespmem:s17], [sflag:$0x5], $0x4000, $0x38;
	[tilespmem:$0x1E900] =	vst v63  }
0x29: {  	_ =	swait.ge [sflag:s16], $0x4000  }
0x2a: {  	[sflag:s16] =	ssyncset.done $0x0  }
0x2b: {  	[sflag:s16] =	ssyncadd.s32 $0xFFFFC000  }
0x2c: {  	[spmem:s10] =	stream.linear.scatter [tilespmem:s17], [sflag:$0x5], $0x4000, $0x38;
	[tilespmem:$0x1E900] =	vst v63  }
0x2d: {  	_ =	swait.ge [sflag:s16], $0x4000  }
0x2e: {  	[sflag:s16] =	ssyncset.done $0x0  }
0x2f: {  	[sflag:s16] =	ssyncadd.s32 $0xFFFFC000  }
0x30: {  	[spmem:s11] =	stream.linear.scatter [tilespmem:s17], [sflag:$0x5], $0x4000, $0x38;
	[tilespmem:$0x1E900] =	vst v63  }
0x31: {  	_ =	swait.ge [sflag:s16], $0x4000  }
0x32: {  	[sflag:s16] =	ssyncset.done $0x0  }
0x33: {  	[sflag:s16] =	ssyncadd.s32 $0xFFFFC000  }
0x34: {  	[spmem:s12] =	stream.linear.scatter [tilespmem:s17], [sflag:$0x5], $0x4000, $0x38;
	[tilespmem:$0x1E900] =	vst v63  }
0x35: {  	_ =	swait.ge [sflag:s16], $0x4000  }
0x36: {  	[sflag:s16] =	ssyncset.done $0x0  }
0x37: {  	[sflag:s16] =	ssyncadd.s32 $0xFFFFC000  }
0x38: {  	[spmem:s13] =	stream.linear.scatter [tilespmem:s17], [sflag:$0x5], $0x4000, $0x38;
	[tilespmem:$0x1E900] =	vst v63  }
0x39: {  	_ =	swait.ge [sflag:s16], $0x4000  }
0x3a: {  	[sflag:s16] =	ssyncset.done $0x0  }
0x3b: {  	[sflag:s16] =	ssyncadd.s32 $0xFFFFC000  }
0x3c: {  	s0 =	simm.s32 $0x0;
	[bflag:$0x0] =	sbarrier.arrive $0xFFFF  }
0x3d: {  	[tilespmem:s18], [sflag:$0x3] =	stream.linear.gather [hbm4b:s7+s0], $0x80, $0x38;
	[tilespmem:$0x1E900] =	vst v63  }
0x3e: {  	s30 =	simm.s32 $0x80  }
0x3f: {  	[tilespmem:s17], [sflag:$0x1] =	stream.indirect.gather [hbm4b:s4+s30], $0x80, s0, s30, $0xb8;
	[tilespmem:$0x1E900] =	vst v63  }
0x40: {  	_ = 	snop  }
0x41: {  	[tilespmem:s19], [sflag:$0x4] =	stream.linear.gather [hbm4b:s8+s0], $0x80, $0x38;
	[tilespmem:$0x1E900] =	vst v63  }
0x42: {  	_ = 	snop  }
0x43: {  	[tilespmem:s21], [sflag:$0x2] =	stream.indirect.gather [hbm4b:s4+s20], $0x80, s30, s20, $0xb8;
	[tilespmem:$0x1E900] =	vst v63  }
0x44: {  	_ =	swait.ge [sflag:s22], $0x80  }
0x45: {  	[sflag:s22] =	ssyncset.done $0x0  }
0x46: {  	[sflag:s22] =	ssyncadd.s32 $0xFFFFFF80  }
0x47: {  	_ =	swait.ge [sflag:s23], $0x4000  }
0x48: {  	[sflag:s23] =	ssyncset.done $0x0  }
0x49: {  	[sflag:s23] =	ssyncadd.s32 $0xFFFFC000  }
0x4a: {  	[spmem:s2] =	stream.indirect.scatter.add.f32 [tilespmem:s17], [sflag:$0x5], $0x80, s18, s20, $0xb8;
	[tilespmem:$0x1E900] =	vst v63  }
0x4b: {  	_ =	swait.ge [sflag:s16], $0x4000  }
0x4c: {  	[sflag:s16] =	ssyncset.done $0x0  }
0x4d: {  	s1 =	sadd.s32 $0x0, s15;
	[sflag:s16] =	ssyncadd.s32 $0xFFFFC000  }
0x4e: {  	[tilespmem:s18], [sflag:$0x3] =	stream.linear.gather [hbm4b:s1+s3], $0x80, $0x38;
	[tilespmem:$0x1E900] =	vst v63  }
0x4f: {  	s1 =	simm.s32 $0x100  }
0x50: {  	[tilespmem:s17], [sflag:$0x1] =	stream.indirect.gather [hbm4b:s4+s20], $0x80, s1, s20, $0xb8;
	[tilespmem:$0x1E900] =	vst v63  }
0x51: {  	_ =	swait.ge [sflag:s25], $0x80  }
0x52: {  	[sflag:s25] =	ssyncset.done $0x0  }
0x53: {  	[sflag:s25] =	ssyncadd.s32 $0xFFFFFF80  }
0x54: {  	_ =	swait.ge [sflag:s26], $0x4000  }
0x55: {  	[sflag:s26] =	ssyncset.done $0x0  }
0x56: {  	[sflag:s26] =	ssyncadd.s32 $0xFFFFC000  }
0x57: {  	[spmem:s2] =	stream.indirect.scatter.add.f32 [tilespmem:s21], [sflag:$0x5], $0x80, s19, s20, $0xb8;
	[tilespmem:$0x1E900] =	vst v63  }
0x58: {  	_ =	swait.ge [sflag:s16], $0x4000  }
0x59: {  	s31 =	simm.s32 $0x180;
	[sflag:s16] =	ssyncset.done $0x0  }
0x5a: {  	s0 =	sadd.s32 $0x0, s14;
	s30 =	simm.s32 $0x20;
	[sflag:s16] =	ssyncadd.s32 $0xFFFFC000  }
.LBB2_4:
0x5b: {  	[tilespmem:s19], [sflag:$0x4] =	stream.linear.gather [hbm4b:s0+s3], $0x80, $0x38;
	[tilespmem:$0x1E900] =	vst v63  }
0x5c: {  	p0 =	sne.s32 s30, $0x4C0;
	s0 =	smov.u32 s30;
	s30 =	sadd.s32 $0x20, s30  }
0x5d: {  	[tilespmem:s21], [sflag:$0x2] =	stream.indirect.gather [hbm4b:s4+s20], $0x80, s31, s20, $0xb8;
	[tilespmem:$0x1E900] =	vst v63  }
0x5e: {  	_ =	swait.ge [sflag:s22], $0x80  }
0x5f: {  	[sflag:s22] =	ssyncset.done $0x0  }
0x60: {  	[sflag:s22] =	ssyncadd.s32 $0xFFFFFF80  }
0x61: {  	_ =	swait.ge [sflag:s23], $0x4000  }
0x62: {  	[sflag:s23] =	ssyncset.done $0x0  }
0x63: {  	[sflag:s23] =	ssyncadd.s32 $0xFFFFC000  }
0x64: {  	[spmem:s2] =	stream.indirect.scatter.add.f32 [tilespmem:s17], [sflag:$0x5], $0x80, s18, s20, $0xb8;
	[tilespmem:$0x1E900] =	vst v63  }
0x65: {  	_ =	swait.ge [sflag:s16], $0x4000  }
0x66: {  	[sflag:s16] =	ssyncset.done $0x0  }
0x67: {  	s1 =	sadd.s32 s0, s15;
	[sflag:s16] =	ssyncadd.s32 $0xFFFFC000  }
0x68: {  	[tilespmem:s18], [sflag:$0x3] =	stream.linear.gather [hbm4b:s1+s3], $0x80, $0x38;
	[tilespmem:$0x1E900] =	vst v63  }
0x69: {  	s1 =	sadd.s32 $0x80, s31  }
0x6a: {  	[tilespmem:s17], [sflag:$0x1] =	stream.indirect.gather [hbm4b:s4+s20], $0x80, s1, s20, $0xb8;
	[tilespmem:$0x1E900] =	vst v63  }
0x6b: {  	_ =	swait.ge [sflag:s25], $0x80  }
0x6c: {  	[sflag:s25] =	ssyncset.done $0x0  }
0x6d: {  	[sflag:s25] =	ssyncadd.s32 $0xFFFFFF80  }
0x6e: {  	_ =	swait.ge [sflag:s26], $0x4000  }
0x6f: {  	[sflag:s26] =	ssyncset.done $0x0  }
.Ltmp1:
0x70: {  	[sflag:s26] =	ssyncadd.s32 $0xFFFFC000;
	(pc) =	sbr.rel @p0 .LBB2_4-.Ltmp1, $4  }
0x71: {  	[spmem:s2] =	stream.indirect.scatter.add.f32 [tilespmem:s21], [sflag:$0x5], $0x80, s19, s20, $0xb8;
	[tilespmem:$0x1E900] =	vst v63  }
0x72: {  	_ =	swait.ge [sflag:s16], $0x4000  }
0x73: {  	[sflag:s16] =	ssyncset.done $0x0  }
0x74: {  	s0 =	sadd.s32 s0, s14;
	s31 =	sadd.s32 $0x100, s31;
	[sflag:s16] =	ssyncadd.s32 $0xFFFFC000  }
0x75: {  	[tilespmem:s19], [sflag:$0x4] =	stream.linear.gather [hbm4b:s0+s3], $0x80, $0x38;
	[tilespmem:$0x1E900] =	vst v63  }
0x76: {  	_ = 	snop  }
0x77: {  	[tilespmem:s21], [sflag:$0x2] =	stream.indirect.gather [hbm4b:s4+s20], $0x80, s28, s20, $0xb8;
	[tilespmem:$0x1E900] =	vst v63  }
0x78: {  	_ =	swait.ge [sflag:s22], $0x80  }
0x79: {  	[sflag:s22] =	ssyncset.done $0x0  }
0x7a: {  	[sflag:s22] =	ssyncadd.s32 $0xFFFFFF80  }
0x7b: {  	_ =	swait.ge [sflag:s23], $0x4000  }
0x7c: {  	[sflag:s23] =	ssyncset.done $0x0  }
0x7d: {  	[sflag:s23] =	ssyncadd.s32 $0xFFFFC000  }
0x7e: {  	[spmem:s2] =	stream.indirect.scatter.add.f32 [tilespmem:s17], [sflag:$0x5], $0x80, s18, s20, $0xb8;
	[tilespmem:$0x1E900] =	vst v63  }
0x7f: {  	_ =	swait.ge [sflag:s16], $0x4000  }
0x80: {  	[sflag:s16] =	ssyncset.done $0x0  }
0x81: {  	[sflag:s16] =	ssyncadd.s32 $0xFFFFC000  }
0x82: {  	_ =	swait.ge [sflag:s25], $0x80  }
0x83: {  	[sflag:s25] =	ssyncset.done $0x0  }
0x84: {  	[sflag:s25] =	ssyncadd.s32 $0xFFFFFF80  }
0x85: {  	_ =	swait.ge [sflag:s26], $0x4000  }
0x86: {  	[sflag:s26] =	ssyncset.done $0x0  }
0x87: {  	[sflag:s26] =	ssyncadd.s32 $0xFFFFC000  }
0x88: {  	[spmem:s2] =	stream.indirect.scatter.add.f32 [tilespmem:s21], [sflag:$0x5], $0x80, s19, s20, $0xb8;
	[tilespmem:$0x1E900] =	vst v63  }
0x89: {  	s31 =	stileid.u32;
	_ =	swait.ge [sflag:s16], $0x4000  }
0x8a: {  	s1 =	sshrl.u32 s6, $0x3;
	s29 =	sadd.s32 $0x1, s29;
	[sflag:s16] =	ssyncset.done $0x0  }
0x8b: {  	s0 =	sshll.u32 s31, $0x6;
	p0 =	sne.s32 s29, s9;
	[sflag:s16] =	ssyncadd.s32 $0xFFFFC000  }
.Ltmp2:
0x8c: {  	s0 =	sor.u32 $0x1C05, s0;
	[bflag:$0x0] =	sbarrier.arrive $0xFFFF;
	(pc) =	sbr.rel @p0 .LBB2_1-.Ltmp2, $4  }
0x8d: {  	[hbm:s24], [sflag:s0] =	dma.local [spmem:s1], $0x2800  }
0x8e: {  	_ =	swait.ge [sflag:s16], $0x2800  }
0x8f: {  	[sflag:s16] =	ssyncset.done $0x0  }
0x90: {  	[sflag:s16] =	ssyncadd.s32 $0xFFFFD800  }
0x91: {  	_ =	sfence.sel $0x180000  }
0x92: {  	[bflag:$0x0] =	sbarrier.arrive $0xFFFF  }
0x93: {  	_ =	strace $0x9000004A  }
0x94: {  	s0 =	stileid.u32;
	[bflag:$0x2] =	sbarrier.arrive $0xFFFF  }
0x95: {  	p0 =	sne.s32 s0, $0x0;
	s0 =	rddreg [dreg:$0x3]  }
0x96: {  	s0 =	sadd.s32 @!p0 $0x100000, s0  }
0x97: {  	[sflag:s0] =	ssyncadd.tile.s32 @!p0 $0x1;
	_ =	shalt  }
.Lfunc_end2:
_tile_overlayer_lowered:
.L_overlay_start_2:
0x98: {  	(tag) =	ssettag $0x2  }
0x99: {  	s0 =	rddreg [dreg:$0x0];
	s2 =	stileid.u32  }
0x9a: {  	s1 =	rddreg [dreg:$0x1];
	p0 =	sne.s32 s2, $0x0  }
0x9b: {  	s3 =	rddreg [dreg:$0x2];
	[bflag:$0x3] =	sbarrier.arrive $0xFFFF;
	s2 =	simm.s32 @!p0 $0x1C05  }
0x9c: {  	[timem:s3], [sflag:s2] =	dma.local @!p0 [hbm:s0], s1  }
0x9d: {  	s0 =	simm.s32 @!p0 $0x5  }
0x9e: {  	_ =	swait.ge @!p0 [sflag:s0], s1  }
0x9f: {  	s1 =	ssub.s32 @!p0 $0x0, s1;
	[sflag:s0] =	ssyncset.done @!p0 $0x0  }
0xa0: {  	[sflag:s0] =	ssyncadd.s32 @!p0 s1  }
0xa1: {  	[bflag:$0x3] =	sbarrier.arrive $0xFFFF  }
0xa2: {  	_ =	shalt  }

// kernel: kernel.14.cloned.1.call-start
scs
__scs_entry_jumppad:
0x0: {  	(pc) =	sbr.rel $0x88, $3  }
0x1: {  	(tag) =	ssettag $0x0;
	lr =	simm.s32 $0x1  }
0x2: {  	[smem:$0x3F91] =	sst lr;
	_ =	strace $0xD0000000  }
0x3: {  	_ = 	snop  }
0x4: {  	_ = 	snop  }
0x5: {  	_ = 	snop  }
0x6: {  	_ = 	snop  }
0x7: {  	_ = 	snop  }
__scs_overlays_trampoline_lowered:
0x8: {  	[smem:$0x3FA0] =	sst s0  }
0x9: {  	[smem:$0x3FA1] =	sst s1  }
0xa: {  	[smem:$0x3FA2] =	sst s2  }
0xb: {  	[smem:$0x3FA3] =	sst s3  }
0xc: {  	[smem:$0x3FA4] =	sst s4  }
0xd: {  	[smem:$0x3FA5] =	sst s5  }
0xe: {  	[smem:$0x3FA6] =	sst s6  }
0xf: {  	[smem:$0x3FA7] =	sst s7  }
0x10: {  	[smem:$0x3FA8] =	sst s8  }
0x11: {  	[smem:$0x3FA9] =	sst s9;
	s0 =	simm.s32 @!p0 $0x0  }
0x12: {  	s1 =	sld [smem:$0x3F8F];
	s0 =	simm.s32 @p0 $0x1  }
0x13: {  	[smem:$0x3FAA] =	sst s0;
	s0 =	simm.s32 @!p1 $0x0  }
0x14: {  	s2 =	sld [smem:$0x3F8E];
	s0 =	simm.s32 @p1 $0x1  }
0x15: {  	[smem:$0x3FAB] =	sst s0;
	s0 =	simm.s32 @!p2 $0x0  }
0x16: {  	s3 =	sld [smem:$0x3FDB];
	s0 =	simm.s32 @p2 $0x1  }
0x17: {  	s4 =	simm.s32 $0x1BF5;
	[smem:$0x3FAD] =	sst s0  }
0x18: {  	s0 =	sld [smem:$0x3F90];
	_ =	swait.ge [sflag:s4], $0x0  }
0x19: {  	s7 =	sld [smem:$0x3F91]  }
0x1a: {  	s8 =	sadd.s32 $0xFFFFE003, lr  }
0x1b: {  	s9 =	sadd.s32 $0xFFFFFEF7, lr;
	s5 =	simm.s32 $0xFFFFFFFF;
	p2 =	slt.u32 s8, $0xFFFFF086  }
0x1c: {  	p1 =	slt.u32 s9, $0xF7A;
	s5 =	simm.s32 @!p2 $0x0  }
0x1d: {  	s5 =	simm.s32 @p1 $0x1;
	p0 =	seq.s32 s7, s2  }
0x1e: {  	s7 =	smul.u32 @!p0 $0xF7A, s2;
	p2 =	seq.s32 @!p0 s5, $0x0  }
0x1f: {  	s9 =	smul.u32 $0xF7A, s1;
	s8 =	simm.s32 @!p0 $0x1BF5;
	p2 =	por !p2, p0  }
0x20: {  	[sflag:s8] =	ssyncset.s32 @!p0 $0xFFFFF086;
	s6 =	sadd.s32 @!p0 s3, s7;
	s7 =	simm.s32 @!p0 $0x108  }
0x21: {  	s3 =	sadd.s32 s3, s9;
	s6 =	sadd.s32 @!p0 $0x88, s6;
	s7 =	simm.s32 @p2 $0x1082  }
0x22: {  	[simem:s7], [sflag:s8] =	dma.local @!p0 [hbm:s6], $0xF7A  }
0x23: {  	s9 =	sor.u32 $0xD0000000, s2;
	s6 =	simm.s32 $0x108;
	_ =	swait.ge @!p0 [sflag:s8], $0x0  }
0x24: {  	s3 =	sadd.s32 $0x88, s3;
	s6 =	simm.s32 @!p1 $0x1082;
	[sflag:s4] =	ssyncset.s32 $0xFFFFF086  }
0x25: {  	[simem:s6], [sflag:s4] =	dma.local [hbm:s3], $0xF7A  }
0x26: {  	[smem:$0x3F91] =	sst s1;
	(tag) =	ssettag s2;
	_ =	strace s9  }
0x27: {  	s1 =	sld [smem:$0x3FA1]  }
0x28: {  	s2 =	sld [smem:$0x3FA2]  }
0x29: {  	s4 =	sld [smem:$0x3FA4]  }
0x2a: {  	p0 =	seq.s32 s5, $0x0;
	s5 =	sld [smem:$0x3FA5]  }
0x2b: {  	s6 =	sld [smem:$0x3FA6]  }
0x2c: {  	s7 =	sld [smem:$0x3FA7]  }
0x2d: {  	s3 =	simm.s32 $0x108;
	s8 =	sld [smem:$0x3FA8]  }
0x2e: {  	s3 =	simm.s32 @!p0 $0x1082;
	s9 =	sld [smem:$0x3FA9]  }
0x2f: {  	lr =	sadd.s32 s0, s3;
	s0 =	sld [smem:$0x3FA0]  }
0x30: {  	s3 =	sld [smem:$0x3FA3]  }
0x31: {  	[smem:$0x3FAC] =	sst s10  }
0x32: {  	s10 =	sld [smem:$0x3FAA];
	_ =	sdelay $0x3  }
0x33: {  	p0 =	seq.s32 s10, $0x1;
	s10 =	sld [smem:$0x3FAC];
	_ =	sdelay $0x3  }
0x34: {  	[smem:$0x3FAC] =	sst s10  }
0x35: {  	s10 =	sld [smem:$0x3FAB];
	_ =	sdelay $0x3  }
0x36: {  	p1 =	seq.s32 s10, $0x1;
	s10 =	sld [smem:$0x3FAC];
	_ =	sdelay $0x3  }
0x37: {  	[smem:$0x3FAC] =	sst s10  }
0x38: {  	s10 =	sld [smem:$0x3FAD]  }
0x39: {  	_ = 	snop;
	(pc) =	sbr.ind lr, $3  }
0x3a: {  	_ = 	snop  }
0x3b: {  	_ = 	snop  }
0x3c: {  	p2 =	seq.s32 s10, $0x1;
	s10 =	sld [smem:$0x3FAC]  }
0x3d: {  	_ =	shalt  }
0x3e: {  	_ =	shalt  }
0x3f: {  	_ =	shalt  }
0x40: {  	_ =	shalt  }
0x41: {  	_ =	shalt  }
0x42: {  	_ =	shalt  }
0x43: {  	_ =	shalt  }
0x44: {  	_ =	shalt  }
0x45: {  	_ =	shalt  }
0x46: {  	_ =	shalt  }
0x47: {  	_ =	shalt  }
0x48: {  	_ =	shalt  }
0x49: {  	_ =	shalt  }
0x4a: {  	_ =	shalt  }
0x4b: {  	_ =	shalt  }
0x4c: {  	_ =	shalt  }
0x4d: {  	_ =	shalt  }
0x4e: {  	_ =	shalt  }
0x4f: {  	_ =	shalt  }
0x50: {  	_ =	shalt  }
0x51: {  	_ =	shalt  }
0x52: {  	_ =	shalt  }
0x53: {  	_ =	shalt  }
0x54: {  	_ =	shalt  }
0x55: {  	_ =	shalt  }
0x56: {  	_ =	shalt  }
0x57: {  	_ =	shalt  }
0x58: {  	_ =	shalt  }
0x59: {  	_ =	shalt  }
0x5a: {  	_ =	shalt  }
0x5b: {  	_ =	shalt  }
0x5c: {  	_ =	shalt  }
0x5d: {  	_ =	shalt  }
0x5e: {  	_ =	shalt  }
0x5f: {  	_ =	shalt  }
0x60: {  	_ =	shalt  }
0x61: {  	_ =	shalt  }
0x62: {  	_ =	shalt  }
0x63: {  	_ =	shalt  }
0x64: {  	_ =	shalt  }
0x65: {  	_ =	shalt  }
0x66: {  	_ =	shalt  }
0x67: {  	_ =	shalt  }
0x68: {  	_ =	shalt  }
0x69: {  	_ =	shalt  }
0x6a: {  	_ =	shalt  }
0x6b: {  	_ =	shalt  }
0x6c: {  	_ =	shalt  }
0x6d: {  	_ =	shalt  }
0x6e: {  	_ =	shalt  }
0x6f: {  	_ =	shalt  }
0x70: {  	_ =	shalt  }
0x71: {  	_ =	shalt  }
0x72: {  	_ =	shalt  }
0x73: {  	_ =	shalt  }
0x74: {  	_ =	shalt  }
0x75: {  	_ =	shalt  }
0x76: {  	_ =	shalt  }
0x77: {  	_ =	shalt  }
0x78: {  	_ =	shalt  }
0x79: {  	_ =	shalt  }
0x7a: {  	_ =	shalt  }
0x7b: {  	_ =	shalt  }
0x7c: {  	_ =	shalt  }
0x7d: {  	_ =	shalt  }
0x7e: {  	_ =	shalt  }
0x7f: {  	_ =	shalt  }
0x80: {  	_ =	shalt  }
0x81: {  	_ =	shalt  }
0x82: {  	_ =	shalt  }
0x83: {  	_ =	shalt  }
0x84: {  	_ =	shalt  }
0x85: {  	_ =	shalt  }
0x86: {  	_ =	shalt  }
0x87: {  	_ =	shalt  }
.Lfunc_end0:
.L_simem_size_0:
called_computation.2_lowered:
.L_overlay_start_0:
0x88: {  	s2 =	sld [smem:$0x3FD9]  }
0x89: {  	s3 =	sld [smem:$0x3FFE];
	_ =	sdelay $0x1  }
0x8a: {  	s1 =	srdreg.scid  }
0x8b: {  	s0 =	sand.u32 $0x1, s1  }
0x8c: {  	s17 =	sshll.u32 s0, $0xA;
	s2 =	sadd.s32 s3, s2  }
0x8d: {  	s2 =	sadd.s32 s2, s17  }
0x8e: {  	[smem:$0x3FB8] =	sst s2  }
0x8f: {  	_ = 	snop  }
0x90: {  	s2 =	sld [smem:$0x3FD0];
	(tm) =	ssettm $0x1  }
0x91: {  	s18 =	sld [smem:$0x3FFB];
	_ =	sdelay $0x3  }
0x92: {  	_ =	strace s18  }
0x93: {  	s3 =	sld [smem:$0x3FFC];
	_ =	sdelay $0x3  }
0x94: {  	_ =	strace s3  }
0x95: {  	s3 =	sld [smem:$0x3FFD];
	_ =	sdelay $0x3  }
0x96: {  	_ =	strace s3  }
0x97: {  	_ =	strace $0x8FFFFFFF  }
0x98: {  	s19 =	sld [smem:$0x3FDB];
	_ =	sdelay $0x1  }
0x99: {  	s4 =	simm.s32 $_scs_section_size  }
0x9a: {  	s5 =	simm.s32 $_size__tile_overlayer_lowered;
	s6 =	simm.s32 $_tile_overlayer_lowered  }
0x9b: {  	s22 =	simm.s32 $0x1BFF;
	s21 =	sshll.u32 s6, $0x1;
	s3 =	sadd.s32 s4, s19  }
0x9c: {  	s7 =	simm.s32 $0x0;
	s20 =	sshll.u32 s5, $0x1;
	s5 =	sadd.s32 s21, s3  }
0x9d: {  	[timem:s7], [sflag:s22] =	dma.local [hbm:s5], s20  }
0x9e: {  	_ =	swait.ge [sflag:s22], s20  }
0x9f: {  	s4 =	ssub.s32 $0x0, s20;
	[sflag:s22] =	ssyncset.done $0x0  }
0xa0: {  	[sflag:s22] =	ssyncadd.s32 s4;
	_ =	sdelay $0x1  }
0xa1: {  	s23 =	simm.s32 $0x1B8B  }
0xa2: {  	_ =	swait.ge [sflag:s23], $0x1  }
0xa3: {  	[sflag:s23] =	ssyncset.done $0x0  }
0xa4: {  	s25 =	simm.s32 $0x1B8E;
	s24 =	sld [smem:$0x3FFE];
	[sflag:s23] =	ssyncadd.s32 $0xFFFFFFFF  }
0xa5: {  	s26 =	simm.s32 $execute0_lowered;
	[smem:$0x3FD2] =	sst s25  }
0xa6: {  	s5 =	sshll.u32 s26, $0x1;
	_ =	strace $0x8000004C;
	[dreg:$0x1] =	wrdreg $0xFFFFFFFF  }
0xa7: {  	s28 =	simm.s32 $_size_execute0_lowered;
	s3 =	sadd.s32 s3, s5;
	[dreg:$0x0] =	wrdreg $0x0  }
0xa8: {  	s5 =	sshll.u32 s28, $0x1;
	[dreg:$0x2] =	wrdreg s3  }
0xa9: {  	[dreg:$0x3] =	wrdreg s5  }
0xaa: {  	[dreg:$0x4] =	wrdreg $0xC0  }
0xab: {  	_ =	task [dreg:s7], $0x5FFFF  }
0xac: {  	[dreg:$0x1] =	wrdreg $0xFFFFFFFF  }
0xad: {  	[dreg:$0x0] =	wrdreg $0x60  }
0xae: {  	[dreg:$0x2] =	wrdreg s2  }
0xaf: {  	[dreg:$0x3] =	wrdreg s24  }
0xb0: {  	[dreg:$0x4] =	wrdreg $0xA9000  }
0xb1: {  	[dreg:$0x5] =	wrdreg $0x9  }
0xb2: {  	_ =	task.clear_ibuf [dreg:s7], $0x6FFFF;
	_ =	strace $0x9000004C  }
0xb3: {  	s29 =	simm.s32 $0x9;
	_ =	strace $0x8000004E  }
0xb4: {  	_ =	swait.ge [sflag:s29], $0x1  }
0xb5: {  	[sflag:s29] =	ssyncadd.s32 $0xFFFFFFFF  }
0xb6: {  	_ =	strace $0x9000004E  }
0xb7: {  	_ =	sfence  }
0xb8: {  	s30 =	sld [smem:$0x0];
	_ =	sdelay $0x2  }
0xb9: {  	s31 =	sshll.u32 s1, $0xD;
	s1 =	sshrl.u32 s1, $0x2  }
0xba: {  	s3 =	sand.u32 $0x4000, s31;
	s1 =	sadd.s32 s1, s30  }
0xbb: {  	s0 =	sor.u32 s3, s0;
	s1 =	sshll.u32 s1, $0x11  }
0xbc: {  	s0 =	sor.u32 s1, s0  }
0xbd: {  	s0 =	sadd.s32 $0x8F2B, s0  }
0xbe: {  	[sflag:s0] =	ssyncadd.remote.s32 $0x1  }
0xbf: {  	_ =	sfence.sel $0xFFFF  }
0xc0: {  	[dreg:$0x0] =	wrdreg $0xFFFFFFFF;
	(pc) =	sbr.abs _section_cstart, $3  }
0xc1: {  	[dreg:$0x1] =	wrdreg $0xFFFFFFFF  }
0xc2: {  	_ =	task.clear_ibuf [dreg:s7], $0x2FFFF;
	_ =	strace $0x9FFFFFFF  }
0xc3: {  	(tm) =	ssettm $0x7FFFFFFF  }
tec
execute0_lowered:
.L_overlay_start_1:
0x0: {  	(tag) =	ssettag $0x1  }
0x1: {  	s0 =	rddreg [dreg:$0x0]  }
0x2: {  	s5 =	rddreg [dreg:$0x1];
	s1 =	srdreg.scid  }
0x3: {  	s2 =	rddreg [dreg:$0x2];
	s26 =	stileid.u32;
	s3 =	simm.s32 $0x0  }
0x4: {  	s17 =	simm.s32 $0x2900;
	s18 =	simm.s32 $0x2800;
	s19 =	simm.s32 $0x2880  }
0x5: {  	s20 =	simm.s32 $0x80;
	s21 =	simm.s32 $0x6900;
	s22 =	simm.s32 $0x3  }
0x6: {  	s23 =	simm.s32 $0x1;
	s25 =	simm.s32 $0x4;
	s28 =	simm.s32 $0x2780  }
0x7: {  	s29 =	simm.s32 $0x0;
	s4 =	sand.u32 $0x1, s1;
	s10 =	smul.u32 $0x50000, s26  }
0x8: {  	[smem:$0x7FF] =	sst s3;
	s15 =	sadd.s32 $0xD200, s5;
	s31 =	smul.u32 $0x2800, s26  }
0x9: {  	s6 =	sshll.u32 s4, $0x4;
	s12 =	smul.u32 $0x28000, s4;
	_ =	strace $0x8000004D  }
0xa: {  	s8 =	ssub.s32 $0x2, s4;
	s4 =	sadd.s32 $0x17200, s5;
	s6 =	sor.u32 s26, s6  }
0xb: {  	s9 =	sshrl.u32 s8, $0x1;
	s30 =	sshrl.u32 s10, $0x2;
	s7 =	smul.u32 $0x2800, s6  }
0xc: {  	s26 =	simm.s32 $0x2;
	s6 =	smul.u32 $0x500, s6;
	s11 =	sadd.s32 s12, s5  }
0xd: {  	s9 =	ssub.s32 s8, s9;
	s13 =	sadd.s32 s31, s12;
	s24 =	sadd.s32 $0x3F200, s11  }
0xe: {  	s9 =	smax.u32 s9, $0x1;
	s14 =	sor.u32 $0x180, s13;
	s16 =	sor.u32 $0x100, s13  }
0xf: {  	s5 =	sadd.s32 s0, s6;
	s7 =	sshrl.u32 s7, $0x3;
	s6 =	sadd.s32 s30, s2  }
0x10: {  	s14 =	sshrl.u32 s14, $0x3;
	s16 =	sshrl.u32 s16, $0x3;
	s24 =	sadd.s32 s31, s24  }
0x11: {  	s7 =	sadd.s32 s15, s7;
	s10 =	sadd.s32 $0x4000, s6;
	s11 =	sadd.s32 $0x8000, s6  }
0x12: {  	s12 =	sadd.s32 $0xC000, s6;
	s13 =	sadd.s32 $0x10000, s6;
	s14 =	sadd.s32 s14, s15  }
0x13: {  	v0 =	vimm.f32 $0.0e+00;
	s15 =	sadd.s32 s16, s15;
	s16 =	simm.s32 $0x5;
	s8 =	sadd.s32 $0x10, s7  }
.LBB2_1:
0x14: {  	[tilespmem:s3], [sflag:$0x5] =	stream.linear.gather [hbm4b:s5+s3], $0x2800, $0x38;
	[tilespmem:$0x1E900] =	vst v63  }
0x15: {  	_ =	swait.ge [sflag:s16], $0x2800  }
0x16: {  	[sflag:s16] =	ssyncset.done $0x0  }
0x17: {  	s30 =	simm.s32 $0x0;
	s31 =	simm.s32 $0x200;
	[sflag:s16] =	ssyncadd.s32 $0xFFFFD800  }
.LBB2_2:
0x18: {  	p0 =	sne.s32 s31, $0xFE00;
	[tilespmem:s30+$0x2970] =	vst v0  }
0x19: {  	[tilespmem:s30+$0x2900] =	vst v0  }
0x1a: {  	[tilespmem:s30+$0x2910] =	vst v0  }
.Ltmp0:
0x1b: {  	[tilespmem:s30+$0x2920] =	vst v0;
	(pc) =	sbr.rel @p0 .LBB2_2-.Ltmp0, $4  }
0x1c: {  	[tilespmem:s30+$0x2930] =	vst v0  }
0x1d: {  	[tilespmem:s30+$0x2940] =	vst v0  }
0x1e: {  	[tilespmem:s30+$0x2950] =	vst v0  }
0x1f: {  	[tilespmem:s30+$0x2960] =	vst v0;
	s30 =	sshra.s32 s31, $0x2;
	s31 =	sadd.s32 $0x200, s31  }
0x20: {  	[tilespmem:s30+$0x2970] =	vst v0  }
0x21: {  	[tilespmem:s30+$0x2900] =	vst v0  }
0x22: {  	[tilespmem:s30+$0x2910] =	vst v0  }
0x23: {  	[tilespmem:s30+$0x2920] =	vst v0  }
0x24: {  	[tilespmem:s30+$0x2930] =	vst v0  }
0x25: {  	[tilespmem:s30+$0x2940] =	vst v0  }
0x26: {  	[tilespmem:s30+$0x2950] =	vst v0  }
0x27: {  	[tilespmem:s30+$0x2960] =	vst v0  }
0x28: {  	[spmem:s6] =	stream.linear.scatter [tilespmem:s17], [sflag:$0x5], $0x4000, $0x38;
	[tilespmem:$0x1E900] =	vst v63  }
0x29: {  	_ =	swait.ge [sflag:s16], $0x4000  }
0x2a: {  	[sflag:s16] =	ssyncset.done $0x0  }
0x2b: {  	[sflag:s16] =	ssyncadd.s32 $0xFFFFC000  }
0x2c: {  	[spmem:s10] =	stream.linear.scatter [tilespmem:s17], [sflag:$0x5], $0x4000, $0x38;
	[tilespmem:$0x1E900] =	vst v63  }
0x2d: {  	_ =	swait.ge [sflag:s16], $0x4000  }
0x2e: {  	[sflag:s16] =	ssyncset.done $0x0  }
0x2f: {  	[sflag:s16] =	ssyncadd.s32 $0xFFFFC000  }
0x30: {  	[spmem:s11] =	stream.linear.scatter [tilespmem:s17], [sflag:$0x5], $0x4000, $0x38;
	[tilespmem:$0x1E900] =	vst v63  }
0x31: {  	_ =	swait.ge [sflag:s16], $0x4000  }
0x32: {  	[sflag:s16] =	ssyncset.done $0x0  }
0x33: {  	[sflag:s16] =	ssyncadd.s32 $0xFFFFC000  }
0x34: {  	[spmem:s12] =	stream.linear.scatter [tilespmem:s17], [sflag:$0x5], $0x4000, $0x38;
	[tilespmem:$0x1E900] =	vst v63  }
0x35: {  	_ =	swait.ge [sflag:s16], $0x4000  }
0x36: {  	[sflag:s16] =	ssyncset.done $0x0  }
0x37: {  	[sflag:s16] =	ssyncadd.s32 $0xFFFFC000  }
0x38: {  	[spmem:s13] =	stream.linear.scatter [tilespmem:s17], [sflag:$0x5], $0x4000, $0x38;
	[tilespmem:$0x1E900] =	vst v63  }
0x39: {  	_ =	swait.ge [sflag:s16], $0x4000  }
0x3a: {  	[sflag:s16] =	ssyncset.done $0x0  }
0x3b: {  	[sflag:s16] =	ssyncadd.s32 $0xFFFFC000  }
0x3c: {  	s0 =	simm.s32 $0x0;
	[bflag:$0x0] =	sbarrier.arrive $0xFFFF  }
0x3d: {  	[tilespmem:s18], [sflag:$0x3] =	stream.linear.gather [hbm4b:s7+s0], $0x80, $0x38;
	[tilespmem:$0x1E900] =	vst v63  }
0x3e: {  	s30 =	simm.s32 $0x80  }
0x3f: {  	[tilespmem:s17], [sflag:$0x1] =	stream.indirect.gather [hbm4b:s4+s30], $0x80, s0, s30, $0xb8;
	[tilespmem:$0x1E900] =	vst v63  }
0x40: {  	_ = 	snop  }
0x41: {  	[tilespmem:s19], [sflag:$0x4] =	stream.linear.gather [hbm4b:s8+s0], $0x80, $0x38;
	[tilespmem:$0x1E900] =	vst v63  }
0x42: {  	_ = 	snop  }
0x43: {  	[tilespmem:s21], [sflag:$0x2] =	stream.indirect.gather [hbm4b:s4+s20], $0x80, s30, s20, $0xb8;
	[tilespmem:$0x1E900] =	vst v63  }
0x44: {  	_ =	swait.ge [sflag:s22], $0x80  }
0x45: {  	[sflag:s22] =	ssyncset.done $0x0  }
0x46: {  	[sflag:s22] =	ssyncadd.s32 $0xFFFFFF80  }
0x47: {  	_ =	swait.ge [sflag:s23], $0x4000  }
0x48: {  	[sflag:s23] =	ssyncset.done $0x0  }
0x49: {  	[sflag:s23] =	ssyncadd.s32 $0xFFFFC000  }
0x4a: {  	[spmem:s2] =	stream.indirect.scatter.add.f32 [tilespmem:s17], [sflag:$0x5], $0x80, s18, s20, $0xb8;
	[tilespmem:$0x1E900] =	vst v63  }
0x4b: {  	_ =	swait.ge [sflag:s16], $0x4000  }
0x4c: {  	[sflag:s16] =	ssyncset.done $0x0  }
0x4d: {  	s1 =	sadd.s32 $0x0, s15;
	[sflag:s16] =	ssyncadd.s32 $0xFFFFC000  }
0x4e: {  	[tilespmem:s18], [sflag:$0x3] =	stream.linear.gather [hbm4b:s1+s3], $0x80, $0x38;
	[tilespmem:$0x1E900] =	vst v63  }
0x4f: {  	s1 =	simm.s32 $0x100  }
0x50: {  	[tilespmem:s17], [sflag:$0x1] =	stream.indirect.gather [hbm4b:s4+s20], $0x80, s1, s20, $0xb8;
	[tilespmem:$0x1E900] =	vst v63  }
0x51: {  	_ =	swait.ge [sflag:s25], $0x80  }
0x52: {  	[sflag:s25] =	ssyncset.done $0x0  }
0x53: {  	[sflag:s25] =	ssyncadd.s32 $0xFFFFFF80  }
0x54: {  	_ =	swait.ge [sflag:s26], $0x4000  }
0x55: {  	[sflag:s26] =	ssyncset.done $0x0  }
0x56: {  	[sflag:s26] =	ssyncadd.s32 $0xFFFFC000  }
0x57: {  	[spmem:s2] =	stream.indirect.scatter.add.f32 [tilespmem:s21], [sflag:$0x5], $0x80, s19, s20, $0xb8;
	[tilespmem:$0x1E900] =	vst v63  }
0x58: {  	_ =	swait.ge [sflag:s16], $0x4000  }
0x59: {  	s31 =	simm.s32 $0x180;
	[sflag:s16] =	ssyncset.done $0x0  }
0x5a: {  	s0 =	sadd.s32 $0x0, s14;
	s30 =	simm.s32 $0x20;
	[sflag:s16] =	ssyncadd.s32 $0xFFFFC000  }
.LBB2_4:
0x5b: {  	[tilespmem:s19], [sflag:$0x4] =	stream.linear.gather [hbm4b:s0+s3], $0x80, $0x38;
	[tilespmem:$0x1E900] =	vst v63  }
0x5c: {  	p0 =	sne.s32 s30, $0x4C0;
	s0 =	smov.u32 s30;
	s30 =	sadd.s32 $0x20, s30  }
0x5d: {  	[tilespmem:s21], [sflag:$0x2] =	stream.indirect.gather [hbm4b:s4+s20], $0x80, s31, s20, $0xb8;
	[tilespmem:$0x1E900] =	vst v63  }
0x5e: {  	_ =	swait.ge [sflag:s22], $0x80  }
0x5f: {  	[sflag:s22] =	ssyncset.done $0x0  }
0x60: {  	[sflag:s22] =	ssyncadd.s32 $0xFFFFFF80  }
0x61: {  	_ =	swait.ge [sflag:s23], $0x4000  }
0x62: {  	[sflag:s23] =	ssyncset.done $0x0  }
0x63: {  	[sflag:s23] =	ssyncadd.s32 $0xFFFFC000  }
0x64: {  	[spmem:s2] =	stream.indirect.scatter.add.f32 [tilespmem:s17], [sflag:$0x5], $0x80, s18, s20, $0xb8;
	[tilespmem:$0x1E900] =	vst v63  }
0x65: {  	_ =	swait.ge [sflag:s16], $0x4000  }
0x66: {  	[sflag:s16] =	ssyncset.done $0x0  }
0x67: {  	s1 =	sadd.s32 s0, s15;
	[sflag:s16] =	ssyncadd.s32 $0xFFFFC000  }
0x68: {  	[tilespmem:s18], [sflag:$0x3] =	stream.linear.gather [hbm4b:s1+s3], $0x80, $0x38;
	[tilespmem:$0x1E900] =	vst v63  }
0x69: {  	s1 =	sadd.s32 $0x80, s31  }
0x6a: {  	[tilespmem:s17], [sflag:$0x1] =	stream.indirect.gather [hbm4b:s4+s20], $0x80, s1, s20, $0xb8;
	[tilespmem:$0x1E900] =	vst v63  }
0x6b: {  	_ =	swait.ge [sflag:s25], $0x80  }
0x6c: {  	[sflag:s25] =	ssyncset.done $0x0  }
0x6d: {  	[sflag:s25] =	ssyncadd.s32 $0xFFFFFF80  }
0x6e: {  	_ =	swait.ge [sflag:s26], $0x4000  }
0x6f: {  	[sflag:s26] =	ssyncset.done $0x0  }
.Ltmp1:
0x70: {  	[sflag:s26] =	ssyncadd.s32 $0xFFFFC000;
	(pc) =	sbr.rel @p0 .LBB2_4-.Ltmp1, $4  }
0x71: {  	[spmem:s2] =	stream.indirect.scatter.add.f32 [tilespmem:s21], [sflag:$0x5], $0x80, s19, s20, $0xb8;
	[tilespmem:$0x1E900] =	vst v63  }
0x72: {  	_ =	swait.ge [sflag:s16], $0x4000  }
0x73: {  	[sflag:s16] =	ssyncset.done $0x0  }
0x74: {  	s0 =	sadd.s32 s0, s14;
	s31 =	sadd.s32 $0x100, s31;
	[sflag:s16] =	ssyncadd.s32 $0xFFFFC000  }
0x75: {  	[tilespmem:s19], [sflag:$0x4] =	stream.linear.gather [hbm4b:s0+s3], $0x80, $0x38;
	[tilespmem:$0x1E900] =	vst v63  }
0x76: {  	_ = 	snop  }
0x77: {  	[tilespmem:s21], [sflag:$0x2] =	stream.indirect.gather [hbm4b:s4+s20], $0x80, s28, s20, $0xb8;
	[tilespmem:$0x1E900] =	vst v63  }
0x78: {  	_ =	swait.ge [sflag:s22], $0x80  }
0x79: {  	[sflag:s22] =	ssyncset.done $0x0  }
0x7a: {  	[sflag:s22] =	ssyncadd.s32 $0xFFFFFF80  }
0x7b: {  	_ =	swait.ge [sflag:s23], $0x4000  }
0x7c: {  	[sflag:s23] =	ssyncset.done $0x0  }
0x7d: {  	[sflag:s23] =	ssyncadd.s32 $0xFFFFC000  }
0x7e: {  	[spmem:s2] =	stream.indirect.scatter.add.f32 [tilespmem:s17], [sflag:$0x5], $0x80, s18, s20, $0xb8;
	[tilespmem:$0x1E900] =	vst v63  }
0x7f: {  	_ =	swait.ge [sflag:s16], $0x4000  }
0x80: {  	[sflag:s16] =	ssyncset.done $0x0  }
0x81: {  	[sflag:s16] =	ssyncadd.s32 $0xFFFFC000  }
0x82: {  	_ =	swait.ge [sflag:s25], $0x80  }
0x83: {  	[sflag:s25] =	ssyncset.done $0x0  }
0x84: {  	[sflag:s25] =	ssyncadd.s32 $0xFFFFFF80  }
0x85: {  	_ =	swait.ge [sflag:s26], $0x4000  }
0x86: {  	[sflag:s26] =	ssyncset.done $0x0  }
0x87: {  	[sflag:s26] =	ssyncadd.s32 $0xFFFFC000  }
0x88: {  	[spmem:s2] =	stream.indirect.scatter.add.f32 [tilespmem:s21], [sflag:$0x5], $0x80, s19, s20, $0xb8;
	[tilespmem:$0x1E900] =	vst v63  }
0x89: {  	s31 =	stileid.u32;
	_ =	swait.ge [sflag:s16], $0x4000  }
0x8a: {  	s1 =	sshrl.u32 s6, $0x3;
	s29 =	sadd.s32 $0x1, s29;
	[sflag:s16] =	ssyncset.done $0x0  }
0x8b: {  	s0 =	sshll.u32 s31, $0x6;
	p0 =	sne.s32 s29, s9;
	[sflag:s16] =	ssyncadd.s32 $0xFFFFC000  }
.Ltmp2:
0x8c: {  	s0 =	sor.u32 $0x1C05, s0;
	[bflag:$0x0] =	sbarrier.arrive $0xFFFF;
	(pc) =	sbr.rel @p0 .LBB2_1-.Ltmp2, $4  }
0x8d: {  	[hbm:s24], [sflag:s0] =	dma.local [spmem:s1], $0x2800  }
0x8e: {  	_ =	swait.ge [sflag:s16], $0x2800  }
0x8f: {  	[sflag:s16] =	ssyncset.done $0x0  }
0x90: {  	[sflag:s16] =	ssyncadd.s32 $0xFFFFD800  }
0x91: {  	_ =	sfence.sel $0x180000  }
0x92: {  	[bflag:$0x0] =	sbarrier.arrive $0xFFFF  }
0x93: {  	_ =	strace $0x9000004D  }
0x94: {  	s0 =	stileid.u32;
	[bflag:$0x2] =	sbarrier.arrive $0xFFFF  }
0x95: {  	p0 =	sne.s32 s0, $0x0;
	s0 =	rddreg [dreg:$0x3]  }
0x96: {  	s0 =	sadd.s32 @!p0 $0x100000, s0  }
0x97: {  	[sflag:s0] =	ssyncadd.tile.s32 @!p0 $0x1;
	_ =	shalt  }
.Lfunc_end2:
_tile_overlayer_lowered:
.L_overlay_start_2:
0x98: {  	(tag) =	ssettag $0x2  }
0x99: {  	s0 =	rddreg [dreg:$0x0];
	s2 =	stileid.u32  }
0x9a: {  	s1 =	rddreg [dreg:$0x1];
	p0 =	sne.s32 s2, $0x0  }
0x9b: {  	s3 =	rddreg [dreg:$0x2];
	[bflag:$0x3] =	sbarrier.arrive $0xFFFF;
	s2 =	simm.s32 @!p0 $0x1C05  }
0x9c: {  	[timem:s3], [sflag:s2] =	dma.local @!p0 [hbm:s0], s1  }
0x9d: {  	s0 =	simm.s32 @!p0 $0x5  }
0x9e: {  	_ =	swait.ge @!p0 [sflag:s0], s1  }
0x9f: {  	s1 =	ssub.s32 @!p0 $0x0, s1;
	[sflag:s0] =	ssyncset.done @!p0 $0x0  }
0xa0: {  	[sflag:s0] =	ssyncadd.s32 @!p0 s1  }
0xa1: {  	[bflag:$0x3] =	sbarrier.arrive $0xFFFF  }
0xa2: {  	_ =	shalt  }

// kernel: kernel.8.cloned.1.call-start
scs
__scs_entry_jumppad:
0x0: {  	(pc) =	sbr.rel $0x88, $3  }
0x1: {  	(tag) =	ssettag $0x0;
	lr =	simm.s32 $0x1  }
0x2: {  	[smem:$0x3F91] =	sst lr;
	_ =	strace $0xD0000000  }
0x3: {  	_ = 	snop  }
0x4: {  	_ = 	snop  }
0x5: {  	_ = 	snop  }
0x6: {  	_ = 	snop  }
0x7: {  	_ = 	snop  }
__scs_overlays_trampoline_lowered:
0x8: {  	[smem:$0x3FA0] =	sst s0  }
0x9: {  	[smem:$0x3FA1] =	sst s1  }
0xa: {  	[smem:$0x3FA2] =	sst s2  }
0xb: {  	[smem:$0x3FA3] =	sst s3  }
0xc: {  	[smem:$0x3FA4] =	sst s4  }
0xd: {  	[smem:$0x3FA5] =	sst s5  }
0xe: {  	[smem:$0x3FA6] =	sst s6  }
0xf: {  	[smem:$0x3FA7] =	sst s7  }
0x10: {  	[smem:$0x3FA8] =	sst s8  }
0x11: {  	[smem:$0x3FA9] =	sst s9;
	s0 =	simm.s32 @!p0 $0x0  }
0x12: {  	s1 =	sld [smem:$0x3F8F];
	s0 =	simm.s32 @p0 $0x1  }
0x13: {  	[smem:$0x3FAA] =	sst s0;
	s0 =	simm.s32 @!p1 $0x0  }
0x14: {  	s2 =	sld [smem:$0x3F8E];
	s0 =	simm.s32 @p1 $0x1  }
0x15: {  	[smem:$0x3FAB] =	sst s0;
	s0 =	simm.s32 @!p2 $0x0  }
0x16: {  	s3 =	sld [smem:$0x3FDB];
	s0 =	simm.s32 @p2 $0x1  }
0x17: {  	s4 =	simm.s32 $0x1BF5;
	[smem:$0x3FAD] =	sst s0  }
0x18: {  	s0 =	sld [smem:$0x3F90];
	_ =	swait.ge [sflag:s4], $0x0  }
0x19: {  	s7 =	sld [smem:$0x3F91]  }
0x1a: {  	s8 =	sadd.s32 $0xFFFFE003, lr  }
0x1b: {  	s9 =	sadd.s32 $0xFFFFFEF7, lr;
	s5 =	simm.s32 $0xFFFFFFFF;
	p2 =	slt.u32 s8, $0xFFFFF086  }
0x1c: {  	p1 =	slt.u32 s9, $0xF7A;
	s5 =	simm.s32 @!p2 $0x0  }
0x1d: {  	s5 =	simm.s32 @p1 $0x1;
	p0 =	seq.s32 s7, s2  }
0x1e: {  	s7 =	smul.u32 @!p0 $0xF7A, s2;
	p2 =	seq.s32 @!p0 s5, $0x0  }
0x1f: {  	s9 =	smul.u32 $0xF7A, s1;
	s8 =	simm.s32 @!p0 $0x1BF5;
	p2 =	por !p2, p0  }
0x20: {  	[sflag:s8] =	ssyncset.s32 @!p0 $0xFFFFF086;
	s6 =	sadd.s32 @!p0 s3, s7;
	s7 =	simm.s32 @!p0 $0x108  }
0x21: {  	s3 =	sadd.s32 s3, s9;
	s6 =	sadd.s32 @!p0 $0x88, s6;
	s7 =	simm.s32 @p2 $0x1082  }
0x22: {  	[simem:s7], [sflag:s8] =	dma.local @!p0 [hbm:s6], $0xF7A  }
0x23: {  	s9 =	sor.u32 $0xD0000000, s2;
	s6 =	simm.s32 $0x108;
	_ =	swait.ge @!p0 [sflag:s8], $0x0  }
0x24: {  	s3 =	sadd.s32 $0x88, s3;
	s6 =	simm.s32 @!p1 $0x1082;
	[sflag:s4] =	ssyncset.s32 $0xFFFFF086  }
0x25: {  	[simem:s6], [sflag:s4] =	dma.local [hbm:s3], $0xF7A  }
0x26: {  	[smem:$0x3F91] =	sst s1;
	(tag) =	ssettag s2;
	_ =	strace s9  }
0x27: {  	s1 =	sld [smem:$0x3FA1]  }
0x28: {  	s2 =	sld [smem:$0x3FA2]  }
0x29: {  	s4 =	sld [smem:$0x3FA4]  }
0x2a: {  	p0 =	seq.s32 s5, $0x0;
	s5 =	sld [smem:$0x3FA5]  }
0x2b: {  	s6 =	sld [smem:$0x3FA6]  }
0x2c: {  	s7 =	sld [smem:$0x3FA7]  }
0x2d: {  	s3 =	simm.s32 $0x108;
	s8 =	sld [smem:$0x3FA8]  }
0x2e: {  	s3 =	simm.s32 @!p0 $0x1082;
	s9 =	sld [smem:$0x3FA9]  }
0x2f: {  	lr =	sadd.s32 s0, s3;
	s0 =	sld [smem:$0x3FA0]  }
0x30: {  	s3 =	sld [smem:$0x3FA3]  }
0x31: {  	[smem:$0x3FAC] =	sst s10  }
0x32: {  	s10 =	sld [smem:$0x3FAA];
	_ =	sdelay $0x3  }
0x33: {  	p0 =	seq.s32 s10, $0x1;
	s10 =	sld [smem:$0x3FAC];
	_ =	sdelay $0x3  }
0x34: {  	[smem:$0x3FAC] =	sst s10  }
0x35: {  	s10 =	sld [smem:$0x3FAB];
	_ =	sdelay $0x3  }
0x36: {  	p1 =	seq.s32 s10, $0x1;
	s10 =	sld [smem:$0x3FAC];
	_ =	sdelay $0x3  }
0x37: {  	[smem:$0x3FAC] =	sst s10  }
0x38: {  	s10 =	sld [smem:$0x3FAD]  }
0x39: {  	_ = 	snop;
	(pc) =	sbr.ind lr, $3  }
0x3a: {  	_ = 	snop  }
0x3b: {  	_ = 	snop  }
0x3c: {  	p2 =	seq.s32 s10, $0x1;
	s10 =	sld [smem:$0x3FAC]  }
0x3d: {  	_ =	shalt  }
0x3e: {  	_ =	shalt  }
0x3f: {  	_ =	shalt  }
0x40: {  	_ =	shalt  }
0x41: {  	_ =	shalt  }
0x42: {  	_ =	shalt  }
0x43: {  	_ =	shalt  }
0x44: {  	_ =	shalt  }
0x45: {  	_ =	shalt  }
0x46: {  	_ =	shalt  }
0x47: {  	_ =	shalt  }
0x48: {  	_ =	shalt  }
0x49: {  	_ =	shalt  }
0x4a: {  	_ =	shalt  }
0x4b: {  	_ =	shalt  }
0x4c: {  	_ =	shalt  }
0x4d: {  	_ =	shalt  }
0x4e: {  	_ =	shalt  }
0x4f: {  	_ =	shalt  }
0x50: {  	_ =	shalt  }
0x51: {  	_ =	shalt  }
0x52: {  	_ =	shalt  }
0x53: {  	_ =	shalt  }
0x54: {  	_ =	shalt  }
0x55: {  	_ =	shalt  }
0x56: {  	_ =	shalt  }
0x57: {  	_ =	shalt  }
0x58: {  	_ =	shalt  }
0x59: {  	_ =	shalt  }
0x5a: {  	_ =	shalt  }
0x5b: {  	_ =	shalt  }
0x5c: {  	_ =	shalt  }
0x5d: {  	_ =	shalt  }
0x5e: {  	_ =	shalt  }
0x5f: {  	_ =	shalt  }
0x60: {  	_ =	shalt  }
0x61: {  	_ =	shalt  }
0x62: {  	_ =	shalt  }
0x63: {  	_ =	shalt  }
0x64: {  	_ =	shalt  }
0x65: {  	_ =	shalt  }
0x66: {  	_ =	shalt  }
0x67: {  	_ =	shalt  }
0x68: {  	_ =	shalt  }
0x69: {  	_ =	shalt  }
0x6a: {  	_ =	shalt  }
0x6b: {  	_ =	shalt  }
0x6c: {  	_ =	shalt  }
0x6d: {  	_ =	shalt  }
0x6e: {  	_ =	shalt  }
0x6f: {  	_ =	shalt  }
0x70: {  	_ =	shalt  }
0x71: {  	_ =	shalt  }
0x72: {  	_ =	shalt  }
0x73: {  	_ =	shalt  }
0x74: {  	_ =	shalt  }
0x75: {  	_ =	shalt  }
0x76: {  	_ =	shalt  }
0x77: {  	_ =	shalt  }
0x78: {  	_ =	shalt  }
0x79: {  	_ =	shalt  }
0x7a: {  	_ =	shalt  }
0x7b: {  	_ =	shalt  }
0x7c: {  	_ =	shalt  }
0x7d: {  	_ =	shalt  }
0x7e: {  	_ =	shalt  }
0x7f: {  	_ =	shalt  }
0x80: {  	_ =	shalt  }
0x81: {  	_ =	shalt  }
0x82: {  	_ =	shalt  }
0x83: {  	_ =	shalt  }
0x84: {  	_ =	shalt  }
0x85: {  	_ =	shalt  }
0x86: {  	_ =	shalt  }
0x87: {  	_ =	shalt  }
.Lfunc_end0:
.L_simem_size_0:
called_computation_lowered:
.L_overlay_start_0:
0x88: {  	s2 =	sld [smem:$0x3FD9]  }
0x89: {  	s3 =	sld [smem:$0x3FFE];
	_ =	sdelay $0x1  }
0x8a: {  	s1 =	srdreg.scid  }
0x8b: {  	s0 =	sand.u32 $0x1, s1  }
0x8c: {  	s16 =	sshll.u32 s0, $0xA;
	s2 =	sadd.s32 s3, s2  }
0x8d: {  	s2 =	sadd.s32 s2, s16  }
0x8e: {  	[smem:$0x3FB8] =	sst s2  }
0x8f: {  	_ = 	snop  }
0x90: {  	(tm) =	ssettm $0x1  }
0x91: {  	s17 =	sld [smem:$0x3FFB];
	_ =	sdelay $0x3  }
0x92: {  	_ =	strace s17  }
0x93: {  	s2 =	sld [smem:$0x3FFC];
	_ =	sdelay $0x3  }
0x94: {  	_ =	strace s2  }
0x95: {  	s2 =	sld [smem:$0x3FFD];
	_ =	sdelay $0x3  }
0x96: {  	_ =	strace s2  }
0x97: {  	_ =	strace $0x8FFFFFFF  }
0x98: {  	s18 =	sld [smem:$0x3FDB];
	_ =	sdelay $0x1  }
0x99: {  	s19 =	simm.s32 $_scs_section_size  }
0x9a: {  	s4 =	simm.s32 $_size__tile_overlayer_lowered;
	s5 =	simm.s32 $_tile_overlayer_lowered  }
0x9b: {  	s22 =	simm.s32 $0x1BFF;
	s21 =	sshll.u32 s5, $0x1;
	s2 =	sadd.s32 s19, s18  }
0x9c: {  	s6 =	simm.s32 $0x0;
	s20 =	sshll.u32 s4, $0x1;
	s4 =	sadd.s32 s21, s2  }
0x9d: {  	[timem:s6], [sflag:s22] =	dma.local [hbm:s4], s20  }
0x9e: {  	_ =	swait.ge [sflag:s22], s20  }
0x9f: {  	s3 =	ssub.s32 $0x0, s20;
	[sflag:s22] =	ssyncset.done $0x0  }
0xa0: {  	[sflag:s22] =	ssyncadd.s32 s3;
	_ =	sdelay $0x1  }
0xa1: {  	s23 =	simm.s32 $0x1B8B  }
0xa2: {  	_ =	swait.ge [sflag:s23], $0x1  }
0xa3: {  	[sflag:s23] =	ssyncset.done $0x0  }
0xa4: {  	s25 =	simm.s32 $0x1B8E;
	s24 =	sld [smem:$0x3FFE];
	[sflag:s23] =	ssyncadd.s32 $0xFFFFFFFF  }
0xa5: {  	s26 =	simm.s32 $execute0_lowered;
	[smem:$0x3FD2] =	sst s25  }
0xa6: {  	s4 =	sshll.u32 s26, $0x1;
	_ =	strace $0x80000046;
	[dreg:$0x1] =	wrdreg $0xFFFFFFFF  }
0xa7: {  	s28 =	simm.s32 $_size_execute0_lowered;
	s2 =	sadd.s32 s2, s4;
	[dreg:$0x0] =	wrdreg $0x0  }
0xa8: {  	s4 =	sshll.u32 s28, $0x1;
	[dreg:$0x2] =	wrdreg s2  }
0xa9: {  	[dreg:$0x3] =	wrdreg s4  }
0xaa: {  	[dreg:$0x4] =	wrdreg $0xC0  }
0xab: {  	_ =	task [dreg:s6], $0x5FFFF  }
0xac: {  	[dreg:$0x1] =	wrdreg $0xFFFFFFFF  }
0xad: {  	[dreg:$0x0] =	wrdreg $0x60  }
0xae: {  	[dreg:$0x2] =	wrdreg s24  }
0xaf: {  	[dreg:$0x3] =	wrdreg $0x68000  }
0xb0: {  	[dreg:$0x4] =	wrdreg $0x9  }
0xb1: {  	_ =	task.clear_ibuf [dreg:s6], $0x5FFFF;
	_ =	strace $0x90000046  }
0xb2: {  	s29 =	simm.s32 $0x9;
	_ =	strace $0x80000048  }
0xb3: {  	_ =	swait.ge [sflag:s29], $0x1  }
0xb4: {  	[sflag:s29] =	ssyncadd.s32 $0xFFFFFFFF  }
0xb5: {  	_ =	strace $0x90000048  }
0xb6: {  	_ =	sfence  }
0xb7: {  	s30 =	sld [smem:$0x0];
	_ =	sdelay $0x2  }
0xb8: {  	s31 =	sshll.u32 s1, $0xD;
	s1 =	sshrl.u32 s1, $0x2  }
0xb9: {  	s3 =	sand.u32 $0x4000, s31;
	s1 =	sadd.s32 s1, s30  }
0xba: {  	s0 =	sor.u32 s3, s0;
	s1 =	sshll.u32 s1, $0x11  }
0xbb: {  	s0 =	sor.u32 s1, s0  }
0xbc: {  	s0 =	sadd.s32 $0x8F2B, s0  }
0xbd: {  	[sflag:s0] =	ssyncadd.remote.s32 $0x1  }
0xbe: {  	_ =	sfence.sel $0xFFFF  }
0xbf: {  	[dreg:$0x0] =	wrdreg $0xFFFFFFFF;
	(pc) =	sbr.abs _section_cstart, $3  }
0xc0: {  	[dreg:$0x1] =	wrdreg $0xFFFFFFFF  }
0xc1: {  	_ =	task.clear_ibuf [dreg:s6], $0x2FFFF;
	_ =	strace $0x9FFFFFFF  }
0xc2: {  	(tm) =	ssettm $0x7FFFFFFF  }
0xc3: {  	_ =	shalt  }
tec
execute0_lowered:
.L_overlay_start_1:
0x0: {  	(tag) =	ssettag $0x1  }
0x1: {  	s5 =	rddreg [dreg:$0x0]  }
0x2: {  	s0 =	srdreg.scid;
	s2 =	rddreg [dreg:$0x1];
	s3 =	simm.s32 $0x0  }
0x3: {  	s11 =	simm.s32 $0x1;
	s12 =	simm.s32 $0x2800;
	s4 =	sand.u32 $0x1, s0  }
0x4: {  	s13 =	simm.s32 $0x80;
	s0 =	stileid.u32;
	s7 =	smul.u32 $0x28000, s4  }
0x5: {  	s17 =	simm.s32 $0x0;
	[smem:$0x7FF] =	sst s3;
	s8 =	smul.u32 $0x50000, s0  }
0x6: {  	s1 =	sshll.u32 s4, $0x4;
	s4 =	ssub.s32 $0x2, s4;
	s15 =	smul.u32 $0x2800, s0  }
0x7: {  	s31 =	sshll.u32 s0, $0x6;
	s1 =	sor.u32 s0, s1;
	s30 =	sshrl.u32 s4, $0x1  }
0x8: {  	s6 =	smul.u32 $0x500, s1;
	s1 =	rddreg [dreg:$0x2];
	_ =	strace $0x80000047  }
0x9: {  	s7 =	sadd.s32 s7, s5;
	s8 =	sshrl.u32 s8, $0x2;
	s9 =	ssub.s32 s4, s30  }
0xa: {  	s14 =	sadd.s32 $0x17200, s7;
	s6 =	sadd.s32 s6, s5;
	s5 =	sadd.s32 s8, s2  }
0xb: {  	s14 =	sadd.s32 s15, s14;
	s15 =	sor.u32 $0x1C01, s31;
	s4 =	sadd.s32 $0x3200, s6  }
0xc: {  	s6 =	smax.u32 s9, $0x1;
	s7 =	sadd.s32 $0x4000, s5;
	s8 =	sadd.s32 $0x8000, s5  }
0xd: {  	v0 =	vimm.f32 $0.0e+00;
	v1 =	vimm.f32 $1.000000000e+00;
	s9 =	sadd.s32 $0xC000, s5;
	s10 =	sadd.s32 $0x10000, s5;
	s16 =	sshrl.u32 s5, $0x3  }
.LBB2_1:
0xe: {  	[tilespmem:s3], [sflag:$0x1] =	stream.linear.gather [hbm4b:s4+s3], $0x2800, $0x38;
	[tilespmem:$0x1A800] =	vst v63  }
0xf: {  	_ =	swait.ge [sflag:s11], $0x2800  }
0x10: {  	[sflag:s11] =	ssyncset.done $0x0  }
0x11: {  	s18 =	simm.s32 $0x0;
	s19 =	simm.s32 $0x200;
	[sflag:s11] =	ssyncadd.s32 $0xFFFFD800  }
.LBB2_2:
0x12: {  	p0 =	sne.s32 s19, $0xFE00;
	[tilespmem:s18+$0x2870] =	vst v0  }
0x13: {  	[tilespmem:s18+$0x2800] =	vst v0  }
0x14: {  	[tilespmem:s18+$0x2810] =	vst v0  }
.Ltmp0:
0x15: {  	[tilespmem:s18+$0x2820] =	vst v0;
	(pc) =	sbr.rel @p0 .LBB2_2-.Ltmp0, $4  }
0x16: {  	[tilespmem:s18+$0x2830] =	vst v0  }
0x17: {  	[tilespmem:s18+$0x2840] =	vst v0  }
0x18: {  	[tilespmem:s18+$0x2850] =	vst v0  }
0x19: {  	[tilespmem:s18+$0x2860] =	vst v0;
	s18 =	sshra.s32 s19, $0x2;
	s19 =	sadd.s32 $0x200, s19  }
0x1a: {  	[tilespmem:s18+$0x2870] =	vst v0  }
0x1b: {  	[tilespmem:s18+$0x2800] =	vst v0  }
0x1c: {  	[tilespmem:s18+$0x2810] =	vst v0  }
0x1d: {  	[tilespmem:s18+$0x2820] =	vst v0  }
0x1e: {  	[tilespmem:s18+$0x2830] =	vst v0  }
0x1f: {  	[tilespmem:s18+$0x2840] =	vst v0  }
0x20: {  	[tilespmem:s18+$0x2850] =	vst v0  }
0x21: {  	[tilespmem:s18+$0x2860] =	vst v0  }
0x22: {  	[spmem:s5] =	stream.linear.scatter [tilespmem:s12], [sflag:$0x1], $0x4000, $0x38;
	[tilespmem:$0x1A800] =	vst v63  }
0x23: {  	_ =	swait.ge [sflag:s11], $0x4000  }
0x24: {  	[sflag:s11] =	ssyncset.done $0x0  }
0x25: {  	[sflag:s11] =	ssyncadd.s32 $0xFFFFC000  }
0x26: {  	[spmem:s7] =	stream.linear.scatter [tilespmem:s12], [sflag:$0x1], $0x4000, $0x38;
	[tilespmem:$0x1A800] =	vst v63  }
0x27: {  	_ =	swait.ge [sflag:s11], $0x4000  }
0x28: {  	[sflag:s11] =	ssyncset.done $0x0  }
0x29: {  	[sflag:s11] =	ssyncadd.s32 $0xFFFFC000  }
0x2a: {  	[spmem:s8] =	stream.linear.scatter [tilespmem:s12], [sflag:$0x1], $0x4000, $0x38;
	[tilespmem:$0x1A800] =	vst v63  }
0x2b: {  	_ =	swait.ge [sflag:s11], $0x4000  }
0x2c: {  	[sflag:s11] =	ssyncset.done $0x0  }
0x2d: {  	[sflag:s11] =	ssyncadd.s32 $0xFFFFC000  }
0x2e: {  	[spmem:s9] =	stream.linear.scatter [tilespmem:s12], [sflag:$0x1], $0x4000, $0x38;
	[tilespmem:$0x1A800] =	vst v63  }
0x2f: {  	_ =	swait.ge [sflag:s11], $0x4000  }
0x30: {  	[sflag:s11] =	ssyncset.done $0x0  }
0x31: {  	[sflag:s11] =	ssyncadd.s32 $0xFFFFC000  }
0x32: {  	[spmem:s10] =	stream.linear.scatter [tilespmem:s12], [sflag:$0x1], $0x4000, $0x38;
	[tilespmem:$0x1A800] =	vst v63  }
0x33: {  	_ =	swait.ge [sflag:s11], $0x4000  }
0x34: {  	[sflag:s11] =	ssyncset.done $0x0  }
0x35: {  	s18 =	simm.s32 $0x0;
	s19 =	simm.s32 $0x200;
	[sflag:s11] =	ssyncadd.s32 $0xFFFFC000  }
.LBB2_4:
0x36: {  	p0 =	sne.s32 s19, $0xFE00;
	[tilespmem:s18+$0x2870] =	vst v1  }
0x37: {  	[tilespmem:s18+$0x2800] =	vst v1  }
0x38: {  	[tilespmem:s18+$0x2810] =	vst v1  }
.Ltmp1:
0x39: {  	[tilespmem:s18+$0x2820] =	vst v1;
	(pc) =	sbr.rel @p0 .LBB2_4-.Ltmp1, $4  }
0x3a: {  	[tilespmem:s18+$0x2830] =	vst v1  }
0x3b: {  	[tilespmem:s18+$0x2840] =	vst v1  }
0x3c: {  	[tilespmem:s18+$0x2850] =	vst v1  }
0x3d: {  	[tilespmem:s18+$0x2860] =	vst v1;
	s18 =	sshra.s32 s19, $0x2;
	s19 =	sadd.s32 $0x200, s19  }
0x3e: {  	[tilespmem:s18+$0x2870] =	vst v1  }
0x3f: {  	[tilespmem:s18+$0x2800] =	vst v1  }
0x40: {  	[tilespmem:s18+$0x2810] =	vst v1  }
0x41: {  	[tilespmem:s18+$0x2820] =	vst v1  }
0x42: {  	[tilespmem:s18+$0x2830] =	vst v1  }
0x43: {  	[tilespmem:s18+$0x2840] =	vst v1  }
0x44: {  	[tilespmem:s18+$0x2850] =	vst v1  }
0x45: {  	[tilespmem:s18+$0x2860] =	vst v1  }
0x46: {  	s31 =	simm.s32 $0x0;
	[bflag:$0x0] =	sbarrier.arrive $0xFFFF  }
0x47: {  	[spmem:s2] =	stream.indirect.scatter.add.f32 [tilespmem:s12], [sflag:$0x1], $0x80, s31, s13, $0xb8;
	[tilespmem:$0x1A800] =	vst v63  }
0x48: {  	_ =	swait.ge [sflag:s11], $0x4000  }
0x49: {  	s18 =	simm.s32 $0x200;
	[sflag:s11] =	ssyncset.done $0x0  }
.LBB2_6:
0x4a: {  	s19 =	sshra.s32 s18, $0x2;
	[sflag:s11] =	ssyncadd.s32 $0xFFFFC000;
	p0 =	sne.s32 s18, $0x9E00  }
0x4b: {  	[spmem:s2] =	stream.indirect.scatter.add.f32 [tilespmem:s12], [sflag:$0x1], $0x80, s19, s13, $0xb8;
	[tilespmem:$0x1A800] =	vst v63  }
.Ltmp2:
0x4c: {  	_ = 	snop;
	(pc) =	sbr.rel @p0 .LBB2_6-.Ltmp2, $4  }
0x4d: {  	_ = 	snop  }
0x4e: {  	s18 =	sadd.s32 $0x200, s18  }
0x4f: {  	_ =	swait.ge [sflag:s11], $0x4000  }
0x50: {  	[sflag:s11] =	ssyncset.done $0x0  }
0x51: {  	s17 =	sadd.s32 $0x1, s17  }
0x52: {  	[sflag:s11] =	ssyncadd.s32 $0xFFFFC000;
	p0 =	sne.s32 s17, s6  }
.Ltmp3:
0x53: {  	[bflag:$0x0] =	sbarrier.arrive $0xFFFF;
	(pc) =	sbr.rel @p0 .LBB2_1-.Ltmp3, $4  }
0x54: {  	[hbm:s14], [sflag:s15] =	dma.local [spmem:s16], $0x2800  }
0x55: {  	_ =	swait.ge [sflag:s11], $0x2800  }
0x56: {  	[sflag:s11] =	ssyncset.done $0x0  }
0x57: {  	[sflag:s11] =	ssyncadd.s32 $0xFFFFD800  }
0x58: {  	_ =	sfence.sel $0x180000  }
0x59: {  	[bflag:$0x0] =	sbarrier.arrive $0xFFFF  }
0x5a: {  	p0 =	sne.s32 s0, $0x0;
	_ =	strace $0x90000047  }
0x5b: {  	s0 =	sadd.s32 @!p0 $0x100000, s1;
	[bflag:$0x2] =	sbarrier.arrive $0xFFFF  }
0x5c: {  	[sflag:s0] =	ssyncadd.tile.s32 @!p0 $0x1;
	_ =	shalt  }
.Lfunc_end2:
_tile_overlayer_lowered:
.L_overlay_start_2:
0x5d: {  	(tag) =	ssettag $0x2  }
0x5e: {  	s0 =	rddreg [dreg:$0x0];
	s2 =	stileid.u32  }
0x5f: {  	s1 =	rddreg [dreg:$0x1];
	p0 =	sne.s32 s2, $0x0  }
0x60: {  	s3 =	rddreg [dreg:$0x2];
	[bflag:$0x3] =	sbarrier.arrive $0xFFFF;
	s2 =	simm.s32 @!p0 $0x1C01  }
0x61: {  	[timem:s3], [sflag:s2] =	dma.local @!p0 [hbm:s0], s1  }
0x62: {  	s0 =	simm.s32 @!p0 $0x1  }
0x63: {  	_ =	swait.ge @!p0 [sflag:s0], s1  }
0x64: {  	s1 =	ssub.s32 @!p0 $0x0, s1;
	[sflag:s0] =	ssyncset.done @!p0 $0x0  }
0x65: {  	[sflag:s0] =	ssyncadd.s32 @!p0 s1  }
0x66: {  	[bflag:$0x3] =	sbarrier.arrive $0xFFFF  }
0x67: {  	_ =	shalt  }

</sc_bundles>
